<compile_context>
chip_gen: v7x
topology: tpu7x:2x2x1
jax: 0.10.2.dev20260603
libtpu: 0.0.44.dev20260713+nightly
codegen_flags: <defaults>
</compile_context>

<pallas_src>
import jax
import jax.numpy as jnp
from jax.experimental import pallas as pl

_MODES = 8
_HID = 32
_GRID = 32
_RADIUS = 0.033
_NL = 4
_K = 128
_QB = 32
_LB = 2048
_PB = 2048


def _mlp2_body(x_ref, w1_ref, b1_ref, w2_ref, b2_ref, o_ref):
    h = jnp.dot(x_ref[...], w1_ref[...], preferred_element_type=jnp.float32) + b1_ref[...]
    h = jax.nn.gelu(h)
    o_ref[...] = jnp.dot(h, w2_ref[...], preferred_element_type=jnp.float32) + b2_ref[...]


def _mlp2(x, w1t, b1, w2t, b2, block):
    n, cin = x.shape
    h1 = w1t.shape[1]
    cout = w2t.shape[1]
    return pl.pallas_call(
        _mlp2_body,
        grid=(n // block,),
        in_specs=[
            pl.BlockSpec((block, cin), lambda i: (i, 0)),
            pl.BlockSpec((cin, h1), lambda i: (0, 0)),
            pl.BlockSpec((1, h1), lambda i: (0, 0)),
            pl.BlockSpec((h1, cout), lambda i: (0, 0)),
            pl.BlockSpec((1, cout), lambda i: (0, 0)),
        ],
        out_specs=pl.BlockSpec((block, cout), lambda i: (i, 0)),
        out_shape=jax.ShapeDtypeStruct((n, cout), jnp.float32),
    )(x, w1t, b1.reshape(1, -1), w2t, b2.reshape(1, -1))


def _gno_body(kin_ref, lg_ref, mf_ref, w1_ref, b1_ref, w2_ref, b2_ref,
              w3_ref, b3_ref, o_ref):
    h = jax.nn.gelu(jnp.dot(kin_ref[...], w1_ref[...],
                            preferred_element_type=jnp.float32) + b1_ref[...])
    h = jax.nn.gelu(jnp.dot(h, w2_ref[...],
                            preferred_element_type=jnp.float32) + b2_ref[...])
    k = jnp.dot(h, w3_ref[...], preferred_element_type=jnp.float32) + b3_ref[...]
    mf = mf_ref[...]
    msg = mf * k * lg_ref[...]
    rows = _QB * _K
    qid = jax.lax.broadcasted_iota(jnp.int32, (_QB, rows), 0)
    rid = jax.lax.broadcasted_iota(jnp.int32, (_QB, rows), 1) // _K
    seg = (qid == rid).astype(jnp.float32)
    agg = jnp.dot(seg, msg, preferred_element_type=jnp.float32)
    cnt = jnp.dot(seg, mf, preferred_element_type=jnp.float32)
    o_ref[...] = agg / jnp.maximum(cnt, 1.0)


def _gno(kin, lg, mf, w1t, b1, w2t, b2, w3t, b3, n_q):
    rows = _QB * _K
    return pl.pallas_call(
        _gno_body,
        grid=(n_q // _QB,),
        in_specs=[
            pl.BlockSpec((rows, 6), lambda i: (i, 0)),
            pl.BlockSpec((rows, _HID), lambda i: (i, 0)),
            pl.BlockSpec((rows, 1), lambda i: (i, 0)),
            pl.BlockSpec((6, 512), lambda i: (0, 0)),
            pl.BlockSpec((1, 512), lambda i: (0, 0)),
            pl.BlockSpec((512, 256), lambda i: (0, 0)),
            pl.BlockSpec((1, 256), lambda i: (0, 0)),
            pl.BlockSpec((256, _HID), lambda i: (0, 0)),
            pl.BlockSpec((1, _HID), lambda i: (0, 0)),
        ],
        out_specs=pl.BlockSpec((_QB, _HID), lambda i: (i, 0)),
        out_shape=jax.ShapeDtypeStruct((n_q, _HID), jnp.float32),
    )(kin, lg, mf, w1t, b1.reshape(1, -1), w2t, b2.reshape(1, -1),
      w3t, b3.reshape(1, -1))


def kernel(in_p, out_p, f, lift_w1, lift_b1, lift_w2, lift_b2, sw_r, sw_i,
           skip_w, skip_b, gno_w1, gno_b1, gno_w2, gno_b2, gno_w3, gno_b3,
           proj_w1, proj_b1, proj_w2, proj_b2):
    g = _GRID
    m = _MODES

    xin = jnp.concatenate([f, in_p], axis=-1).reshape(-1, 6)
    lifted = _mlp2(xin, lift_w1.T, lift_b1, lift_w2.T, lift_b2, _LB)
    x = lifted.reshape(g, g, g, _HID).transpose(3, 0, 1, 2)

    corners = [(slice(0, m), slice(0, m)), (slice(0, m), slice(-m, None)),
               (slice(-m, None), slice(0, m)), (slice(-m, None), slice(-m, None))]
    for l in range(_NL):
        x_ft = jnp.fft.rfftn(x, axes=(1, 2, 3), norm='forward')
        out_ft = jnp.zeros_like(x_ft)
        for ci, (s1, s2) in enumerate(corners):
            w = sw_r[l, ci] + 1j * sw_i[l, ci]
            blk = x_ft[:, s1, s2, :m]
            out_ft = out_ft.at[:, s1, s2, :m].set(
                jnp.einsum('ixyz,ioxyz->oxyz', blk, w))
        x_sc = jnp.fft.irfftn(out_ft, s=(g, g, g), axes=(1, 2, 3), norm='forward')
        x_skip = jnp.einsum('oi,ixyz->oxyz', skip_w[l], x) + \
            skip_b[l][:, None, None, None]
        x = x_sc + x_skip
        if l < _NL - 1:
            x = jax.nn.gelu(x)

    latent = jnp.transpose(x, (1, 2, 3, 0)).reshape(-1, _HID)

    y = in_p.reshape(-1, 3)
    n_y = y.shape[0]
    n_q = out_p.shape[0]
    nc = 16
    cap = 40
    cyc = jnp.clip((y * nc).astype(jnp.int32), 0, nc - 1)
    cid = (cyc[:, 0] * nc + cyc[:, 1]) * nc + cyc[:, 2]
    order = jnp.argsort(cid)
    counts = jnp.zeros((nc ** 3,), jnp.int32).at[cid].add(1)
    starts = jnp.concatenate(
        [jnp.zeros((1,), jnp.int32), jnp.cumsum(counts)[:-1]])

    qc = jnp.clip((out_p * nc).astype(jnp.int32), 0, nc - 1)
    off = jnp.stack(jnp.meshgrid(jnp.arange(-1, 2), jnp.arange(-1, 2),
                                 jnp.arange(-1, 2), indexing='ij'),
                    axis=-1).reshape(27, 3)
    nbc = qc[:, None, :] + off[None, :, :]
    inb = jnp.all((nbc >= 0) & (nbc < nc), axis=-1)
    nbcc = jnp.clip(nbc, 0, nc - 1)
    nid = (nbcc[..., 0] * nc + nbcc[..., 1]) * nc + nbcc[..., 2]
    st = starts[nid]
    ct = counts[nid]
    j = jnp.arange(cap)
    valid = inb[..., None] & (j[None, None, :] < ct[..., None])
    pos = jnp.minimum(st[..., None] + j[None, None, :], n_y - 1)
    cand = order[pos].reshape(n_q, 27 * cap)
    validf = valid.reshape(n_q, 27 * cap)

    ycand = y[cand]
    dc = out_p[:, None, :] - ycand
    d2c = jnp.sum(dc * dc, axis=-1)
    key = jnp.where(validf, -d2c, -jnp.inf)
    _, selp = jax.lax.top_k(key, _K)
    idx = jnp.take_along_axis(cand, selp, axis=1)
    vsel = jnp.take_along_axis(validf, selp, axis=1)

    yg = y[idx]
    diff = out_p[:, None, :] - yg
    d2e = jnp.sum(diff * diff, axis=-1)
    mf = (vsel & (d2e < _RADIUS * _RADIUS)).astype(
        jnp.float32).reshape(-1, 1)
    kin = jnp.concatenate(
        [yg, jnp.broadcast_to(out_p[:, None, :], yg.shape)],
        axis=-1).reshape(-1, 6)
    lg = latent[idx].reshape(-1, _HID)

    agg = _gno(kin, lg, mf, gno_w1.T, gno_b1, gno_w2.T, gno_b2,
               gno_w3.T, gno_b3, n_q)

    return _mlp2(agg, proj_w1.T, proj_b1, proj_w2.T, proj_b2, _PB)

# --- scband reference (transcript-rebuilt; emitter-appended) ---
"""Pipeline reference for scband-fnogno-17257178595927 (READ-ONLY COPY).

The authoritative reference and input builder live on the scoring server;
editing this copy changes nothing except your own understanding.
"""

import jax, jax.numpy as jnp
import numpy as np

MODES = 8
HID = 32
GRID = 32
N_OUT = 8192
RADIUS = 0.033
N_LAYERS = 4


def _radius_search(y, x, r):
    # y: (Ny,3) source points, x: (Nx,3) query points. Brute-force radius search (CSR-like flat output).
    y = np.asarray(y, dtype=np.float64)
    x = np.asarray(x, dtype=np.float64)
    y2 = (y ** 2).sum(1)
    nbr = []
    rep = []
    counts = np.zeros(x.shape[0], dtype=np.int64)
    chunk = 1024
    for i in range(0, x.shape[0], chunk):
        xc = x[i:i + chunk]
        d2 = (xc ** 2).sum(1)[:, None] + y2[None, :] - 2.0 * (xc @ y.T)
        mask = d2 < r * r
        rows, cols = np.nonzero(mask)
        rep.append(rows + i)
        nbr.append(cols)
        counts[i:i + chunk] = mask.sum(1)
    return (np.concatenate(nbr).astype(np.int64),
            np.concatenate(rep).astype(np.int64),
            counts)


def setup_inputs(seed: int = 0) -> dict:
    key = jax.random.key(seed)
    ks = jax.random.split(key, 24)
    s = 0.02
    inp = {}
    inp['in_p'] = jax.random.uniform(ks[0], (GRID, GRID, GRID, 3), jnp.float32)
    inp['out_p'] = jax.random.uniform(ks[1], (N_OUT, 3), jnp.float32)
    inp['f'] = jax.random.normal(ks[2], (GRID, GRID, GRID, 3), jnp.float32)
    # FNO lifting MLP: (in_channels + coord_dim)=6 -> 256 -> HID
    inp['lift_w1'] = jax.random.normal(ks[3], (256, 6), jnp.float32) * s
    inp['lift_b1'] = jnp.zeros((256,), jnp.float32)
    inp['lift_w2'] = jax.random.normal(ks[4], (HID, 256), jnp.float32) * s
    inp['lift_b2'] = jnp.zeros((HID,), jnp.float32)
    # Spectral conv weights: [layer, corner, Cin, Cout, m, m, m] (real/imag parts)
    inp['sw_r'] = jax.random.normal(ks[5], (N_LAYERS, 4, HID, HID, MODES, MODES, MODES), jnp.float32) * s
    inp['sw_i'] = jax.random.normal(ks[6], (N_LAYERS, 4, HID, HID, MODES, MODES, MODES), jnp.float32) * s
    # Linear (1x1 conv) skips per layer
    inp['skip_w'] = jax.random.normal(ks[7], (N_LAYERS, HID, HID), jnp.float32) * s
    inp['skip_b'] = jnp.zeros((N_LAYERS, HID), jnp.float32)
    # GNO kernel MLP: 6 -> 512 -> 256 -> HID
    inp['gno_w1'] = jax.random.normal(ks[8], (512, 6), jnp.float32) * s
    inp['gno_b1'] = jnp.zeros((512,), jnp.float32)
    inp['gno_w2'] = jax.random.normal(ks[9], (256, 512), jnp.float32) * s
    inp['gno_b2'] = jnp.zeros((256,), jnp.float32)
    inp['gno_w3'] = jax.random.normal(ks[10], (HID, 256), jnp.float32) * s
    inp['gno_b3'] = jnp.zeros((HID,), jnp.float32)
    # Projection MLP: HID -> 256 -> out_channels(1)
    inp['proj_w1'] = jax.random.normal(ks[11], (256, HID), jnp.float32) * s
    inp['proj_b1'] = jnp.zeros((256,), jnp.float32)
    inp['proj_w2'] = jax.random.normal(ks[12], (1, 256), jnp.float32) * s
    inp['proj_b2'] = jnp.zeros((1,), jnp.float32)
    return inp


def reference(in_p, out_p, f, lift_w1, lift_b1, lift_w2, lift_b2, sw_r, sw_i,
              skip_w, skip_b, gno_w1, gno_b1, gno_w2, gno_b2, gno_w3, gno_b3,
              proj_w1, proj_b1, proj_w2, proj_b2):
    # ---- FNO latent embedding ----
    x = jnp.concatenate([f, in_p], axis=-1)          # (G,G,G,6)
    x = jnp.transpose(x, (3, 0, 1, 2))               # (6,G,G,G) channels-first
    x = jnp.einsum('oi,ixyz->oxyz', lift_w1, x) + lift_b1[:, None, None, None]
    x = jax.nn.gelu(x)
    x = jnp.einsum('oi,ixyz->oxyz', lift_w2, x) + lift_b2[:, None, None, None]

    m = MODES
    corners = [(slice(0, m), slice(0, m)), (slice(0, m), slice(-m, None)),
               (slice(-m, None), slice(0, m)), (slice(-m, None), slice(-m, None))]
    for l in range(N_LAYERS):
        x_ft = jnp.fft.rfftn(x, axes=(1, 2, 3), norm='forward')
        out_ft = jnp.zeros_like(x_ft)
        for ci, (s1, s2) in enumerate(corners):
            w = sw_r[l, ci] + 1j * sw_i[l, ci]       # (Cin,Cout,m,m,m)
            blk = x_ft[:, s1, s2, :m]
            out_ft = out_ft.at[:, s1, s2, :m].set(jnp.einsum('ixyz,ioxyz->oxyz', blk, w))
        x_sc = jnp.fft.irfftn(out_ft, s=(GRID, GRID, GRID), axes=(1, 2, 3), norm='forward')
        x_skip = jnp.einsum('oi,ixyz->oxyz', skip_w[l], x) + skip_b[l][:, None, None, None]
        x = x_sc + x_skip
        if l < N_LAYERS - 1:
            x = jax.nn.gelu(x)

    latent = jnp.transpose(x, (1, 2, 3, 0)).reshape(-1, HID)   # (G^3, HID)

    # ---- GNO integral transform (transform_type='linear') ----
    y = in_p.reshape(-1, 3)
    n_y = y.shape[0]
    n_q = out_p.shape[0]
    q_chunk = 16
    r2 = RADIUS * RADIUS

    def _gno_chunk(xq):
        diff = xq[:, None, :] - y[None, :, :]                      # (Q, Ny, 3)
        d2 = (diff ** 2).sum(-1)                                   # (Q, Ny)
        mask = d2 < r2
        kin = jnp.concatenate(
            [jnp.broadcast_to(y[None, :, :], (q_chunk, n_y, 3)),
             jnp.broadcast_to(xq[:, None, :], (q_chunk, n_y, 3))], axis=-1)
        h = jax.nn.gelu(kin @ gno_w1.T + gno_b1)
        h = jax.nn.gelu(h @ gno_w2.T + gno_b2)
        k = h @ gno_w3.T + gno_b3                                  # (Q, Ny, HID)
        msg = jnp.where(mask[..., None], k * latent[None, :, :], 0.0)
        agg_c = msg.sum(1)                                         # (Q, HID)
        cnt_c = jnp.maximum(mask.sum(1).astype(jnp.float32), 1.0)
        return agg_c / cnt_c[:, None]                              # mean reduction

    agg = jax.lax.map(_gno_chunk, out_p.reshape(n_q // q_chunk, q_chunk, 3))
    agg = agg.reshape(n_q, HID)

    # ---- projection ----
    out = jax.nn.gelu(agg @ proj_w1.T + proj_b1)
    out = out @ proj_w2.T + proj_b2
    return out

if __name__ == "__main__":
    import jax
    _d = setup_inputs()
    print(jax.jit(kernel)(*tuple(_d.values())))

</pallas_src>

<mosaic_0001>
module attributes {stable_mosaic.version = 14 : i64} {
  func.func @_mlp2_body(%arg0: i32, %arg1: memref<2048x6xf32, #tpu.memory_space<vmem>>, %arg2: memref<6x256xf32, #tpu.memory_space<vmem>>, %arg3: memref<1x256xf32, #tpu.memory_space<vmem>>, %arg4: memref<256x32xf32, #tpu.memory_space<vmem>>, %arg5: memref<1x32xf32, #tpu.memory_space<vmem>>, %arg6: memref<2048x32xf32, #tpu.memory_space<vmem>>) attributes {dimension_semantics = [#tpu.dimension_semantics<arbitrary>], iteration_bounds = array<i64: 16>, scalar_prefetch = 0 : i64, scratch_operands = 0 : i64, tpu.core_type = #tpu.core_type<tc>, window_params = [{transform_indices = @transform_0, window_bounds = array<i64: 2048, 6>}, {pipeline_mode = #tpu.pipeline_mode<synchronous>, transform_indices = @transform_1, window_bounds = array<i64: 6, 256>}, {pipeline_mode = #tpu.pipeline_mode<synchronous>, transform_indices = @transform_2, window_bounds = array<i64: 1, 256>}, {pipeline_mode = #tpu.pipeline_mode<synchronous>, transform_indices = @transform_3, window_bounds = array<i64: 256, 32>}, {pipeline_mode = #tpu.pipeline_mode<synchronous>, transform_indices = @transform_4, window_bounds = array<i64: 1, 32>}, {transform_indices = @transform_5, window_bounds = array<i64: 2048, 32>}]} {
    %get3A = arith.constant 0 : index
    %get3A_0 = arith.constant 0 : index
    %get3A_1 = vector.load %arg1[%get3A, %get3A_0] : memref<2048x6xf32, #tpu.memory_space<vmem>>, vector<2048x6xf32>
    %get3A_2 = arith.constant 0 : index
    %get3A_3 = arith.constant 0 : index
    %get3A_4 = vector.load %arg2[%get3A_2, %get3A_3] : memref<6x256xf32, #tpu.memory_space<vmem>>, vector<6x256xf32>
    %dot_general3A = arith.constant dense<0.000000e+00> : vector<2048x256xf32>
    %dot_general3A_5 = tpu.matmul %get3A_1, %get3A_4, %dot_general3A {dimension_numbers = #tpu.dot_dimension_numbers<[1], [0], [0], [1], [0, 0, 1, 1], [], []>, transpose_lhs_hint = false} : vector<2048x6xf32>, vector<6x256xf32>, vector<2048x256xf32> -> vector<2048x256xf32>
    %get3A_6 = arith.constant 0 : index
    %get3A_7 = arith.constant 0 : index
    %get3A_8 = vector.load %arg3[%get3A_6, %get3A_7] : memref<1x256xf32, #tpu.memory_space<vmem>>, vector<1x256xf32>
    %add3A = vector.broadcast %get3A_8 : vector<1x256xf32> to vector<2048x256xf32>
    %add3A_9 = arith.addf %dot_general3A_5, %add3A : vector<2048x256xf32>
    %integer_pow3A = arith.mulf %add3A_9, %add3A_9 : vector<2048x256xf32>
    %integer_pow3A_10 = arith.mulf %add3A_9, %integer_pow3A : vector<2048x256xf32>
    %mul3A = arith.constant 4.471500e-02 : f32
    %mul3A_11 = vector.broadcast %mul3A : f32 to vector<2048x256xf32>
    %mul3A_12 = arith.mulf %mul3A_11, %integer_pow3A_10 : vector<2048x256xf32>
    %add3A_13 = arith.addf %add3A_9, %mul3A_12 : vector<2048x256xf32>
    %mul3A_14 = arith.constant 0.797884583 : f32
    %mul3A_15 = vector.broadcast %mul3A_14 : f32 to vector<2048x256xf32>
    %mul3A_16 = arith.mulf %mul3A_15, %add3A_13 : vector<2048x256xf32>
    %tanh3A = math.tanh %mul3A_16 : vector<2048x256xf32>
    %add3A_17 = arith.constant 1.000000e+00 : f32
    %add3A_18 = vector.broadcast %add3A_17 : f32 to vector<2048x256xf32>
    %add3A_19 = arith.addf %add3A_18, %tanh3A : vector<2048x256xf32>
    %mul3A_20 = arith.constant 5.000000e-01 : f32
    %mul3A_21 = vector.broadcast %mul3A_20 : f32 to vector<2048x256xf32>
    %mul3A_22 = arith.mulf %mul3A_21, %add3A_19 : vector<2048x256xf32>
    %mul3A_23 = arith.mulf %add3A_9, %mul3A_22 : vector<2048x256xf32>
    %get3A_24 = arith.constant 0 : index
    %get3A_25 = arith.constant 0 : index
    %get3A_26 = vector.load %arg4[%get3A_24, %get3A_25] : memref<256x32xf32, #tpu.memory_space<vmem>>, vector<256x32xf32>
    %dot_general3A_27 = arith.constant dense<0.000000e+00> : vector<2048x32xf32>
    %dot_general3A_28 = tpu.matmul %mul3A_23, %get3A_26, %dot_general3A_27 {dimension_numbers = #tpu.dot_dimension_numbers<[1], [0], [0], [1], [0, 0, 1, 1], [], []>, transpose_lhs_hint = false} : vector<2048x256xf32>, vector<256x32xf32>, vector<2048x32xf32> -> vector<2048x32xf32>
    %get3A_29 = arith.constant 0 : index
    %get3A_30 = arith.constant 0 : index
    %get3A_31 = vector.load %arg5[%get3A_29, %get3A_30] : memref<1x32xf32, #tpu.memory_space<vmem>>, vector<1x32xf32>
    %add3A_32 = vector.broadcast %get3A_31 : vector<1x32xf32> to vector<2048x32xf32>
    %add3A_33 = arith.addf %dot_general3A_28, %add3A_32 : vector<2048x32xf32>
    %swap3A = arith.constant 0 : index
    %swap3A_34 = arith.constant 0 : index
    %swap3A_35 = vector.load %arg6[%swap3A, %swap3A_34] : memref<2048x32xf32, #tpu.memory_space<vmem>>, vector<2048x32xf32>
    tpu.vector_store %arg6[%swap3A, %swap3A_34], %add3A_33 {strides = array<i32>} : memref<2048x32xf32, #tpu.memory_space<vmem>>, vector<2048x32xf32>,
    return
  }
  func.func @transform_0(%arg0: i32) -> (i32, i32) {
    %c0_i32 = arith.constant 0 : i32
    %c0_i32_0 = arith.constant 0 : i32
    return %arg0, %c0_i32 : i32, i32
  }
  func.func @transform_1(%arg0: i32) -> (i32, i32) {
    %c0_i32 = arith.constant 0 : i32
    %c0_i32_0 = arith.constant 0 : i32
    %c0_i32_1 = arith.constant 0 : i32
    return %c0_i32, %c0_i32_0 : i32, i32
  }
  func.func @transform_2(%arg0: i32) -> (i32, i32) {
    %c0_i32 = arith.constant 0 : i32
    %c0_i32_0 = arith.constant 0 : i32
    %c0_i32_1 = arith.constant 0 : i32
    return %c0_i32, %c0_i32_0 : i32, i32
  }
  func.func @transform_3(%arg0: i32) -> (i32, i32) {
    %c0_i32 = arith.constant 0 : i32
    %c0_i32_0 = arith.constant 0 : i32
    %c0_i32_1 = arith.constant 0 : i32
    return %c0_i32, %c0_i32_0 : i32, i32
  }
  func.func @transform_4(%arg0: i32) -> (i32, i32) {
    %c0_i32 = arith.constant 0 : i32
    %c0_i32_0 = arith.constant 0 : i32
    %c0_i32_1 = arith.constant 0 : i32
    return %c0_i32, %c0_i32_0 : i32, i32
  }
  func.func @transform_5(%arg0: i32) -> (i32, i32) {
    %c0_i32 = arith.constant 0 : i32
    %c0_i32_0 = arith.constant 0 : i32
    return %arg0, %c0_i32 : i32, i32
  }
}

module attributes {stable_mosaic.version = 14 : i64} {
  func.func @_gno_body(%arg0: i32, %arg1: memref<4096x6xf32, #tpu.memory_space<vmem>>, %arg2: memref<4096x32xf32, #tpu.memory_space<vmem>>, %arg3: memref<4096x1xf32, #tpu.memory_space<vmem>>, %arg4: memref<6x512xf32, #tpu.memory_space<vmem>>, %arg5: memref<1x512xf32, #tpu.memory_space<vmem>>, %arg6: memref<512x256xf32, #tpu.memory_space<vmem>>, %arg7: memref<1x256xf32, #tpu.memory_space<vmem>>, %arg8: memref<256x32xf32, #tpu.memory_space<vmem>>, %arg9: memref<1x32xf32, #tpu.memory_space<vmem>>, %arg10: memref<32x32xf32, #tpu.memory_space<vmem>>) attributes {dimension_semantics = [#tpu.dimension_semantics<arbitrary>], iteration_bounds = array<i64: 256>, scalar_prefetch = 0 : i64, scratch_operands = 0 : i64, tpu.core_type = #tpu.core_type<tc>, window_params = [{transform_indices = @transform_0, window_bounds = array<i64: 4096, 6>}, {transform_indices = @transform_1, window_bounds = array<i64: 4096, 32>}, {transform_indices = @transform_2, window_bounds = array<i64: 4096, 1>}, {pipeline_mode = #tpu.pipeline_mode<synchronous>, transform_indices = @transform_3, window_bounds = array<i64: 6, 512>}, {pipeline_mode = #tpu.pipeline_mode<synchronous>, transform_indices = @transform_4, window_bounds = array<i64: 1, 512>}, {pipeline_mode = #tpu.pipeline_mode<synchronous>, transform_indices = @transform_5, window_bounds = array<i64: 512, 256>}, {pipeline_mode = #tpu.pipeline_mode<synchronous>, transform_indices = @transform_6, window_bounds = array<i64: 1, 256>}, {pipeline_mode = #tpu.pipeline_mode<synchronous>, transform_indices = @transform_7, window_bounds = array<i64: 256, 32>}, {pipeline_mode = #tpu.pipeline_mode<synchronous>, transform_indices = @transform_8, window_bounds = array<i64: 1, 32>}, {transform_indices = @transform_9, window_bounds = array<i64: 32, 32>}]} {
    %get3A = arith.constant 0 : index
    %get3A_0 = arith.constant 0 : index
    %get3A_1 = vector.load %arg1[%get3A, %get3A_0] : memref<4096x6xf32, #tpu.memory_space<vmem>>, vector<4096x6xf32>
    %get3A_2 = arith.constant 0 : index
    %get3A_3 = arith.constant 0 : index
    %get3A_4 = vector.load %arg4[%get3A_2, %get3A_3] : memref<6x512xf32, #tpu.memory_space<vmem>>, vector<6x512xf32>
    %dot_general3A = arith.constant dense<0.000000e+00> : vector<4096x512xf32>
    %dot_general3A_5 = tpu.matmul %get3A_1, %get3A_4, %dot_general3A {dimension_numbers = #tpu.dot_dimension_numbers<[1], [0], [0], [1], [0, 0, 1, 1], [], []>, transpose_lhs_hint = false} : vector<4096x6xf32>, vector<6x512xf32>, vector<4096x512xf32> -> vector<4096x512xf32>
    %get3A_6 = arith.constant 0 : index
    %get3A_7 = arith.constant 0 : index
    %get3A_8 = vector.load %arg5[%get3A_6, %get3A_7] : memref<1x512xf32, #tpu.memory_space<vmem>>, vector<1x512xf32>
    %add3A = vector.broadcast %get3A_8 : vector<1x512xf32> to vector<4096x512xf32>
    %add3A_9 = arith.addf %dot_general3A_5, %add3A : vector<4096x512xf32>
    %integer_pow3A = arith.mulf %add3A_9, %add3A_9 : vector<4096x512xf32>
    %integer_pow3A_10 = arith.mulf %add3A_9, %integer_pow3A : vector<4096x512xf32>
    %mul3A = arith.constant 4.471500e-02 : f32
    %mul3A_11 = vector.broadcast %mul3A : f32 to vector<4096x512xf32>
    %mul3A_12 = arith.mulf %mul3A_11, %integer_pow3A_10 : vector<4096x512xf32>
    %add3A_13 = arith.addf %add3A_9, %mul3A_12 : vector<4096x512xf32>
    %mul3A_14 = arith.constant 0.797884583 : f32
    %mul3A_15 = vector.broadcast %mul3A_14 : f32 to vector<4096x512xf32>
    %mul3A_16 = arith.mulf %mul3A_15, %add3A_13 : vector<4096x512xf32>
    %tanh3A = math.tanh %mul3A_16 : vector<4096x512xf32>
    %add3A_17 = arith.constant 1.000000e+00 : f32
    %add3A_18 = vector.broadcast %add3A_17 : f32 to vector<4096x512xf32>
    %add3A_19 = arith.addf %add3A_18, %tanh3A : vector<4096x512xf32>
    %mul3A_20 = arith.constant 5.000000e-01 : f32
    %mul3A_21 = vector.broadcast %mul3A_20 : f32 to vector<4096x512xf32>
    %mul3A_22 = arith.mulf %mul3A_21, %add3A_19 : vector<4096x512xf32>
    %mul3A_23 = arith.mulf %add3A_9, %mul3A_22 : vector<4096x512xf32>
    %get3A_24 = arith.constant 0 : index
    %get3A_25 = arith.constant 0 : index
    %get3A_26 = vector.load %arg6[%get3A_24, %get3A_25] : memref<512x256xf32, #tpu.memory_space<vmem>>, vector<512x256xf32>
    %dot_general3A_27 = arith.constant dense<0.000000e+00> : vector<4096x256xf32>
    %dot_general3A_28 = tpu.matmul %mul3A_23, %get3A_26, %dot_general3A_27 {dimension_numbers = #tpu.dot_dimension_numbers<[1], [0], [0], [1], [0, 0, 1, 1], [], []>, transpose_lhs_hint = false} : vector<4096x512xf32>, vector<512x256xf32>, vector<4096x256xf32> -> vector<4096x256xf32>
    %get3A_29 = arith.constant 0 : index
    %get3A_30 = arith.constant 0 : index
    %get3A_31 = vector.load %arg7[%get3A_29, %get3A_30] : memref<1x256xf32, #tpu.memory_space<vmem>>, vector<1x256xf32>
    %add3A_32 = vector.broadcast %get3A_31 : vector<1x256xf32> to vector<4096x256xf32>
    %add3A_33 = arith.addf %dot_general3A_28, %add3A_32 : vector<4096x256xf32>
    %integer_pow3A_34 = arith.mulf %add3A_33, %add3A_33 : vector<4096x256xf32>
    %integer_pow3A_35 = arith.mulf %add3A_33, %integer_pow3A_34 : vector<4096x256xf32>
    %mul3A_36 = arith.constant 4.471500e-02 : f32
    %mul3A_37 = vector.broadcast %mul3A_36 : f32 to vector<4096x256xf32>
    %mul3A_38 = arith.mulf %mul3A_37, %integer_pow3A_35 : vector<4096x256xf32>
    %add3A_39 = arith.addf %add3A_33, %mul3A_38 : vector<4096x256xf32>
    %mul3A_40 = arith.constant 0.797884583 : f32
    %mul3A_41 = vector.broadcast %mul3A_40 : f32 to vector<4096x256xf32>
    %mul3A_42 = arith.mulf %mul3A_41, %add3A_39 : vector<4096x256xf32>
    %tanh3A_43 = math.tanh %mul3A_42 : vector<4096x256xf32>
    %add3A_44 = arith.constant 1.000000e+00 : f32
    %add3A_45 = vector.broadcast %add3A_44 : f32 to vector<4096x256xf32>
    %add3A_46 = arith.addf %add3A_45, %tanh3A_43 : vector<4096x256xf32>
    %mul3A_47 = arith.constant 5.000000e-01 : f32
    %mul3A_48 = vector.broadcast %mul3A_47 : f32 to vector<4096x256xf32>
    %mul3A_49 = arith.mulf %mul3A_48, %add3A_46 : vector<4096x256xf32>
    %mul3A_50 = arith.mulf %add3A_33, %mul3A_49 : vector<4096x256xf32>
    %get3A_51 = arith.constant 0 : index
    %get3A_52 = arith.constant 0 : index
    %get3A_53 = vector.load %arg8[%get3A_51, %get3A_52] : memref<256x32xf32, #tpu.memory_space<vmem>>, vector<256x32xf32>
    %dot_general3A_54 = arith.constant dense<0.000000e+00> : vector<4096x32xf32>
    %dot_general3A_55 = tpu.matmul %mul3A_50, %get3A_53, %dot_general3A_54 {dimension_numbers = #tpu.dot_dimension_numbers<[1], [0], [0], [1], [0, 0, 1, 1], [], []>, transpose_lhs_hint = false} : vector<4096x256xf32>, vector<256x32xf32>, vector<4096x32xf32> -> vector<4096x32xf32>
    %get3A_56 = arith.constant 0 : index
    %get3A_57 = arith.constant 0 : index
    %get3A_58 = vector.load %arg9[%get3A_56, %get3A_57] : memref<1x32xf32, #tpu.memory_space<vmem>>, vector<1x32xf32>
    %add3A_59 = vector.broadcast %get3A_58 : vector<1x32xf32> to vector<4096x32xf32>
    %add3A_60 = arith.addf %dot_general3A_55, %add3A_59 : vector<4096x32xf32>
    %get3A_61 = arith.constant 0 : index
    %get3A_62 = arith.constant 0 : index
    %get3A_63 = vector.load %arg3[%get3A_61, %get3A_62] : memref<4096x1xf32, #tpu.memory_space<vmem>>, vector<4096x1xf32>
    %mul3A_64 = vector.broadcast %get3A_63 : vector<4096x1xf32> to vector<4096x32xf32>
    %mul3A_65 = arith.mulf %mul3A_64, %add3A_60 : vector<4096x32xf32>
    %get3A_66 = arith.constant 0 : index
    %get3A_67 = arith.constant 0 : index
    %get3A_68 = vector.load %arg2[%get3A_66, %get3A_67] : memref<4096x32xf32, #tpu.memory_space<vmem>>, vector<4096x32xf32>
    %mul3A_69 = arith.mulf %mul3A_65, %get3A_68 : vector<4096x32xf32>
    %iota3A = tpu.iota {dimensions = array<i32: 0>} : vector<32x4096xi32>
    %iota3A_70 = tpu.iota {dimensions = array<i32: 1>} : vector<32x4096xi32>
    %jit3A = arith.constant 128 : i32
    %div3A = vector.broadcast %jit3A : i32 to vector<32x4096xi32>
    %div3A_71 = arith.divsi %iota3A_70, %div3A : vector<32x4096xi32>
    %sign3A = arith.constant 0 : i32
    %sign3A_72 = vector.broadcast %sign3A : i32 to vector<32x4096xi32>
    %sign3A_73 = arith.cmpi sgt, %iota3A_70, %sign3A_72 : vector<32x4096xi32>
    %sign3A_74 = arith.extui %sign3A_73 : vector<32x4096xi1> to vector<32x4096xi32>
    %sign3A_75 = arith.constant 0 : i32
    %sign3A_76 = vector.broadcast %sign3A_75 : i32 to vector<32x4096xi32>
    %sign3A_77 = arith.cmpi slt, %iota3A_70, %sign3A_76 : vector<32x4096xi32>
    %sign3A_78 = arith.extui %sign3A_77 : vector<32x4096xi1> to vector<32x4096xi32>
    %sign3A_79 = arith.subi %sign3A_74, %sign3A_78 : vector<32x4096xi32>
    %sign3A_80 = arith.constant 0 : i32
    %sign3A_81 = arith.cmpi sgt, %jit3A, %sign3A_80 : i32
    %sign3A_82 = arith.extui %sign3A_81 : i1 to i32
    %sign3A_83 = arith.constant 0 : i32
    %sign3A_84 = arith.cmpi slt, %jit3A, %sign3A_83 : i32
    %sign3A_85 = arith.extui %sign3A_84 : i1 to i32
    %sign3A_86 = arith.subi %sign3A_82, %sign3A_85 : i32
    %ne3A = vector.broadcast %sign3A_86 : i32 to vector<32x4096xi32>
    %ne3A_87 = arith.cmpi ne, %sign3A_79, %ne3A : vector<32x4096xi32>
    %rem3A = vector.broadcast %jit3A : i32 to vector<32x4096xi32>
    %rem3A_88 = arith.remsi %iota3A_70, %rem3A : vector<32x4096xi32>
    %ne3A_89 = arith.constant 0 : i32
    %ne3A_90 = vector.broadcast %ne3A_89 : i32 to vector<32x4096xi32>
    %ne3A_91 = arith.cmpi ne, %rem3A_88, %ne3A_90 : vector<32x4096xi32>
    %and3A = arith.andi %ne3A_87, %ne3A_91 : vector<32x4096xi1>
    %sub3A = arith.constant 1 : i32
    %sub3A_92 = vector.broadcast %sub3A : i32 to vector<32x4096xi32>
    %sub3A_93 = arith.subi %div3A_71, %sub3A_92 : vector<32x4096xi32>
    %select_n3A = arith.select %and3A, %sub3A_93, %div3A_71 : vector<32x4096xi1>, vector<32x4096xi32>
    %eq3A = arith.cmpi eq, %iota3A, %select_n3A : vector<32x4096xi32>
    %convert_element_type3A = arith.extui %eq3A : vector<32x4096xi1> to vector<32x4096xi32>
    %convert_element_type3A_94 = arith.sitofp %convert_element_type3A : vector<32x4096xi32> to vector<32x4096xf32>
    %dot_general3A_95 = arith.constant dense<0.000000e+00> : vector<32x32xf32>
    %dot_general3A_96 = tpu.matmul %convert_element_type3A_94, %mul3A_69, %dot_general3A_95 {dimension_numbers = #tpu.dot_dimension_numbers<[1], [0], [0], [1], [0, 0, 1, 1], [], []>, transpose_lhs_hint = false} : vector<32x4096xf32>, vector<4096x32xf32>, vector<32x32xf32> -> vector<32x32xf32>
    %dot_general3A_97 = arith.constant dense<0.000000e+00> : vector<32x1xf32>
    %dot_general3A_98 = tpu.matmul %convert_element_type3A_94, %get3A_63, %dot_general3A_97 {dimension_numbers = #tpu.dot_dimension_numbers<[1], [0], [0], [1], [0, 0, 1, 1], [], []>, transpose_lhs_hint = false} : vector<32x4096xf32>, vector<4096x1xf32>, vector<32x1xf32> -> vector<32x1xf32>
    %max3A = arith.constant 1.000000e+00 : f32
    %max3A_99 = vector.broadcast %max3A : f32 to vector<32x1xf32>
    %max3A_100 = arith.maximumf %dot_general3A_98, %max3A_99 : vector<32x1xf32>
    %div3A_101 = vector.broadcast %max3A_100 : vector<32x1xf32> to vector<32x32xf32>
    %div3A_102 = arith.divf %dot_general3A_96, %div3A_101 : vector<32x32xf32>
    %swap3A = arith.constant 0 : index
    %swap3A_103 = arith.constant 0 : index
    %swap3A_104 = vector.load %arg10[%swap3A, %swap3A_103] : memref<32x32xf32, #tpu.memory_space<vmem>>, vector<32x32xf32>
    tpu.vector_store %arg10[%swap3A, %swap3A_103], %div3A_102 {strides = array<i32>} : memref<32x32xf32, #tpu.memory_space<vmem>>, vector<32x32xf32>,
    return
  }
  func.func @transform_0(%arg0: i32) -> (i32, i32) {
    %c0_i32 = arith.constant 0 : i32
    %c0_i32_0 = arith.constant 0 : i32
    return %arg0, %c0_i32 : i32, i32
  }
  func.func @transform_1(%arg0: i32) -> (i32, i32) {
    %c0_i32 = arith.constant 0 : i32
    %c0_i32_0 = arith.constant 0 : i32
    return %arg0, %c0_i32 : i32, i32
  }
  func.func @transform_2(%arg0: i32) -> (i32, i32) {
    %c0_i32 = arith.constant 0 : i32
    %c0_i32_0 = arith.constant 0 : i32
    return %arg0, %c0_i32 : i32, i32
  }
  func.func @transform_3(%arg0: i32) -> (i32, i32) {
    %c0_i32 = arith.constant 0 : i32
    %c0_i32_0 = arith.constant 0 : i32
    %c0_i32_1 = arith.constant 0 : i32
    return %c0_i32, %c0_i32_0 : i32, i32
  }
  func.func @transform_4(%arg0: i32) -> (i32, i32) {
    %c0_i32 = arith.constant 0 : i32
    %c0_i32_0 = arith.constant 0 : i32
    %c0_i32_1 = arith.constant 0 : i32
    return %c0_i32, %c0_i32_0 : i32, i32
  }
  func.func @transform_5(%arg0: i32) -> (i32, i32) {
    %c0_i32 = arith.constant 0 : i32
    %c0_i32_0 = arith.constant 0 : i32
    %c0_i32_1 = arith.constant 0 : i32
    return %c0_i32, %c0_i32_0 : i32, i32
  }
  func.func @transform_6(%arg0: i32) -> (i32, i32) {
    %c0_i32 = arith.constant 0 : i32
    %c0_i32_0 = arith.constant 0 : i32
    %c0_i32_1 = arith.constant 0 : i32
    return %c0_i32, %c0_i32_0 : i32, i32
  }
  func.func @transform_7(%arg0: i32) -> (i32, i32) {
    %c0_i32 = arith.constant 0 : i32
    %c0_i32_0 = arith.constant 0 : i32
    %c0_i32_1 = arith.constant 0 : i32
    return %c0_i32, %c0_i32_0 : i32, i32
  }
  func.func @transform_8(%arg0: i32) -> (i32, i32) {
    %c0_i32 = arith.constant 0 : i32
    %c0_i32_0 = arith.constant 0 : i32
    %c0_i32_1 = arith.constant 0 : i32
    return %c0_i32, %c0_i32_0 : i32, i32
  }
  func.func @transform_9(%arg0: i32) -> (i32, i32) {
    %c0_i32 = arith.constant 0 : i32
    %c0_i32_0 = arith.constant 0 : i32
    return %arg0, %c0_i32 : i32, i32
  }
}

module attributes {stable_mosaic.version = 14 : i64} {
  func.func @_mlp2_body(%arg0: i32, %arg1: memref<2048x32xf32, #tpu.memory_space<vmem>>, %arg2: memref<32x256xf32, #tpu.memory_space<vmem>>, %arg3: memref<1x256xf32, #tpu.memory_space<vmem>>, %arg4: memref<256x1xf32, #tpu.memory_space<vmem>>, %arg5: memref<1x1xf32, #tpu.memory_space<vmem>>, %arg6: memref<2048x1xf32, #tpu.memory_space<vmem>>) attributes {dimension_semantics = [#tpu.dimension_semantics<arbitrary>], iteration_bounds = array<i64: 4>, scalar_prefetch = 0 : i64, scratch_operands = 0 : i64, tpu.core_type = #tpu.core_type<tc>, window_params = [{transform_indices = @transform_0, window_bounds = array<i64: 2048, 32>}, {pipeline_mode = #tpu.pipeline_mode<synchronous>, transform_indices = @transform_1, window_bounds = array<i64: 32, 256>}, {pipeline_mode = #tpu.pipeline_mode<synchronous>, transform_indices = @transform_2, window_bounds = array<i64: 1, 256>}, {pipeline_mode = #tpu.pipeline_mode<synchronous>, transform_indices = @transform_3, window_bounds = array<i64: 256, 1>}, {pipeline_mode = #tpu.pipeline_mode<synchronous>, transform_indices = @transform_4, window_bounds = array<i64: 1, 1>}, {transform_indices = @transform_5, window_bounds = array<i64: 2048, 1>}]} {
    %get3A = arith.constant 0 : index
    %get3A_0 = arith.constant 0 : index
    %get3A_1 = vector.load %arg1[%get3A, %get3A_0] : memref<2048x32xf32, #tpu.memory_space<vmem>>, vector<2048x32xf32>
    %get3A_2 = arith.constant 0 : index
    %get3A_3 = arith.constant 0 : index
    %get3A_4 = vector.load %arg2[%get3A_2, %get3A_3] : memref<32x256xf32, #tpu.memory_space<vmem>>, vector<32x256xf32>
    %dot_general3A = arith.constant dense<0.000000e+00> : vector<2048x256xf32>
    %dot_general3A_5 = tpu.matmul %get3A_1, %get3A_4, %dot_general3A {dimension_numbers = #tpu.dot_dimension_numbers<[1], [0], [0], [1], [0, 0, 1, 1], [], []>, transpose_lhs_hint = false} : vector<2048x32xf32>, vector<32x256xf32>, vector<2048x256xf32> -> vector<2048x256xf32>
    %get3A_6 = arith.constant 0 : index
    %get3A_7 = arith.constant 0 : index
    %get3A_8 = vector.load %arg3[%get3A_6, %get3A_7] : memref<1x256xf32, #tpu.memory_space<vmem>>, vector<1x256xf32>
    %add3A = vector.broadcast %get3A_8 : vector<1x256xf32> to vector<2048x256xf32>
    %add3A_9 = arith.addf %dot_general3A_5, %add3A : vector<2048x256xf32>
    %integer_pow3A = arith.mulf %add3A_9, %add3A_9 : vector<2048x256xf32>
    %integer_pow3A_10 = arith.mulf %add3A_9, %integer_pow3A : vector<2048x256xf32>
    %mul3A = arith.constant 4.471500e-02 : f32
    %mul3A_11 = vector.broadcast %mul3A : f32 to vector<2048x256xf32>
    %mul3A_12 = arith.mulf %mul3A_11, %integer_pow3A_10 : vector<2048x256xf32>
    %add3A_13 = arith.addf %add3A_9, %mul3A_12 : vector<2048x256xf32>
    %mul3A_14 = arith.constant 0.797884583 : f32
    %mul3A_15 = vector.broadcast %mul3A_14 : f32 to vector<2048x256xf32>
    %mul3A_16 = arith.mulf %mul3A_15, %add3A_13 : vector<2048x256xf32>
    %tanh3A = math.tanh %mul3A_16 : vector<2048x256xf32>
    %add3A_17 = arith.constant 1.000000e+00 : f32
    %add3A_18 = vector.broadcast %add3A_17 : f32 to vector<2048x256xf32>
    %add3A_19 = arith.addf %add3A_18, %tanh3A : vector<2048x256xf32>
    %mul3A_20 = arith.constant 5.000000e-01 : f32
    %mul3A_21 = vector.broadcast %mul3A_20 : f32 to vector<2048x256xf32>
    %mul3A_22 = arith.mulf %mul3A_21, %add3A_19 : vector<2048x256xf32>
    %mul3A_23 = arith.mulf %add3A_9, %mul3A_22 : vector<2048x256xf32>
    %get3A_24 = arith.constant 0 : index
    %get3A_25 = arith.constant 0 : index
    %get3A_26 = vector.load %arg4[%get3A_24, %get3A_25] : memref<256x1xf32, #tpu.memory_space<vmem>>, vector<256x1xf32>
    %dot_general3A_27 = arith.constant dense<0.000000e+00> : vector<2048x1xf32>
    %dot_general3A_28 = tpu.matmul %mul3A_23, %get3A_26, %dot_general3A_27 {dimension_numbers = #tpu.dot_dimension_numbers<[1], [0], [0], [1], [0, 0, 1, 1], [], []>, transpose_lhs_hint = false} : vector<2048x256xf32>, vector<256x1xf32>, vector<2048x1xf32> -> vector<2048x1xf32>
    %get3A_29 = arith.constant 0 : index
    %get3A_30 = arith.constant 0 : index
    %get3A_31 = vector.load %arg5[%get3A_29, %get3A_30] : memref<1x1xf32, #tpu.memory_space<vmem>>, vector<1x1xf32>
    %add3A_32 = vector.broadcast %get3A_31 : vector<1x1xf32> to vector<2048x1xf32>
    %add3A_33 = arith.addf %dot_general3A_28, %add3A_32 : vector<2048x1xf32>
    %swap3A = arith.constant 0 : index
    %swap3A_34 = arith.constant 0 : index
    %swap3A_35 = vector.load %arg6[%swap3A, %swap3A_34] : memref<2048x1xf32, #tpu.memory_space<vmem>>, vector<2048x1xf32>
    tpu.vector_store %arg6[%swap3A, %swap3A_34], %add3A_33 {strides = array<i32>} : memref<2048x1xf32, #tpu.memory_space<vmem>>, vector<2048x1xf32>,
    return
  }
  func.func @transform_0(%arg0: i32) -> (i32, i32) {
    %c0_i32 = arith.constant 0 : i32
    %c0_i32_0 = arith.constant 0 : i32
    return %arg0, %c0_i32 : i32, i32
  }
  func.func @transform_1(%arg0: i32) -> (i32, i32) {
    %c0_i32 = arith.constant 0 : i32
    %c0_i32_0 = arith.constant 0 : i32
    %c0_i32_1 = arith.constant 0 : i32
    return %c0_i32, %c0_i32_0 : i32, i32
  }
  func.func @transform_2(%arg0: i32) -> (i32, i32) {
    %c0_i32 = arith.constant 0 : i32
    %c0_i32_0 = arith.constant 0 : i32
    %c0_i32_1 = arith.constant 0 : i32
    return %c0_i32, %c0_i32_0 : i32, i32
  }
  func.func @transform_3(%arg0: i32) -> (i32, i32) {
    %c0_i32 = arith.constant 0 : i32
    %c0_i32_0 = arith.constant 0 : i32
    %c0_i32_1 = arith.constant 0 : i32
    return %c0_i32, %c0_i32_0 : i32, i32
  }
  func.func @transform_4(%arg0: i32) -> (i32, i32) {
    %c0_i32 = arith.constant 0 : i32
    %c0_i32_0 = arith.constant 0 : i32
    %c0_i32_1 = arith.constant 0 : i32
    return %c0_i32, %c0_i32_0 : i32, i32
  }
  func.func @transform_5(%arg0: i32) -> (i32, i32) {
    %c0_i32 = arith.constant 0 : i32
    %c0_i32_0 = arith.constant 0 : i32
    return %arg0, %c0_i32 : i32, i32
  }
}

</mosaic_0001>

<sc_bundles>
// kernel: gather_offload_async_start.1
scs
__scs_entry_jumppad:
0x0: {  	(pc) =	sbr.rel $0x88, $3  }
0x1: {  	(tag) =	ssettag $0x0;
	lr =	simm.s32 $0x1  }
0x2: {  	[smem:$0x3F8C] =	sst lr;
	_ =	strace $0xD0000000  }
0x3: {  	_ = 	snop  }
0x4: {  	_ = 	snop  }
0x5: {  	_ = 	snop  }
0x6: {  	_ = 	snop  }
0x7: {  	_ = 	snop  }
__scs_overlays_trampoline_lowered:
0x8: {  	[smem:$0x3F9B] =	sst s0  }
0x9: {  	[smem:$0x3F9C] =	sst s1  }
0xa: {  	[smem:$0x3F9D] =	sst s2  }
0xb: {  	[smem:$0x3F9E] =	sst s3  }
0xc: {  	[smem:$0x3F9F] =	sst s4  }
0xd: {  	[smem:$0x3FA0] =	sst s5  }
0xe: {  	[smem:$0x3FA1] =	sst s6  }
0xf: {  	[smem:$0x3FA2] =	sst s7  }
0x10: {  	[smem:$0x3FA3] =	sst s8  }
0x11: {  	[smem:$0x3FA4] =	sst s9;
	s0 =	simm.s32 @!p0 $0x0  }
0x12: {  	s1 =	sld [smem:$0x3F8A];
	s0 =	simm.s32 @p0 $0x1  }
0x13: {  	[smem:$0x3FA5] =	sst s0;
	s0 =	simm.s32 @!p1 $0x0  }
0x14: {  	s2 =	sld [smem:$0x3F89];
	s0 =	simm.s32 @p1 $0x1  }
0x15: {  	[smem:$0x3FA6] =	sst s0;
	s0 =	simm.s32 @!p2 $0x0  }
0x16: {  	s3 =	sld [smem:$0x3FDB];
	s0 =	simm.s32 @p2 $0x1  }
0x17: {  	s4 =	simm.s32 $0x1BF5;
	[smem:$0x3FA8] =	sst s0  }
0x18: {  	s0 =	sld [smem:$0x3F8B];
	_ =	swait.ge [sflag:s4], $0x0  }
0x19: {  	s7 =	sld [smem:$0x3F8C]  }
0x1a: {  	s8 =	sadd.s32 $0xFFFFE003, lr  }
0x1b: {  	s9 =	sadd.s32 $0xFFFFFEF7, lr;
	s5 =	simm.s32 $0xFFFFFFFF;
	p2 =	slt.u32 s8, $0xFFFFF086  }
0x1c: {  	p1 =	slt.u32 s9, $0xF7A;
	s5 =	simm.s32 @!p2 $0x0  }
0x1d: {  	s5 =	simm.s32 @p1 $0x1;
	p0 =	seq.s32 s7, s2  }
0x1e: {  	s7 =	smul.u32 @!p0 $0xF7A, s2;
	p2 =	seq.s32 @!p0 s5, $0x0  }
0x1f: {  	s9 =	smul.u32 $0xF7A, s1;
	s8 =	simm.s32 @!p0 $0x1BF5;
	p2 =	por !p2, p0  }
0x20: {  	[sflag:s8] =	ssyncset.s32 @!p0 $0xFFFFF086;
	s6 =	sadd.s32 @!p0 s3, s7;
	s7 =	simm.s32 @!p0 $0x108  }
0x21: {  	s3 =	sadd.s32 s3, s9;
	s6 =	sadd.s32 @!p0 $0x88, s6;
	s7 =	simm.s32 @p2 $0x1082  }
0x22: {  	[simem:s7], [sflag:s8] =	dma.local @!p0 [hbm:s6], $0xF7A  }
0x23: {  	s9 =	sor.u32 $0xD0000000, s2;
	s6 =	simm.s32 $0x108;
	_ =	swait.ge @!p0 [sflag:s8], $0x0  }
0x24: {  	s3 =	sadd.s32 $0x88, s3;
	s6 =	simm.s32 @!p1 $0x1082;
	[sflag:s4] =	ssyncset.s32 $0xFFFFF086  }
0x25: {  	[simem:s6], [sflag:s4] =	dma.local [hbm:s3], $0xF7A  }
0x26: {  	[smem:$0x3F8C] =	sst s1;
	(tag) =	ssettag s2;
	_ =	strace s9  }
0x27: {  	s1 =	sld [smem:$0x3F9C]  }
0x28: {  	s2 =	sld [smem:$0x3F9D]  }
0x29: {  	s4 =	sld [smem:$0x3F9F]  }
0x2a: {  	p0 =	seq.s32 s5, $0x0;
	s5 =	sld [smem:$0x3FA0]  }
0x2b: {  	s6 =	sld [smem:$0x3FA1]  }
0x2c: {  	s7 =	sld [smem:$0x3FA2]  }
0x2d: {  	s3 =	simm.s32 $0x108;
	s8 =	sld [smem:$0x3FA3]  }
0x2e: {  	s3 =	simm.s32 @!p0 $0x1082;
	s9 =	sld [smem:$0x3FA4]  }
0x2f: {  	lr =	sadd.s32 s0, s3;
	s0 =	sld [smem:$0x3F9B]  }
0x30: {  	s3 =	sld [smem:$0x3F9E]  }
0x31: {  	[smem:$0x3FA7] =	sst s10  }
0x32: {  	s10 =	sld [smem:$0x3FA5];
	_ =	sdelay $0x3  }
0x33: {  	p0 =	seq.s32 s10, $0x1;
	s10 =	sld [smem:$0x3FA7];
	_ =	sdelay $0x3  }
0x34: {  	[smem:$0x3FA7] =	sst s10  }
0x35: {  	s10 =	sld [smem:$0x3FA6];
	_ =	sdelay $0x3  }
0x36: {  	p1 =	seq.s32 s10, $0x1;
	s10 =	sld [smem:$0x3FA7];
	_ =	sdelay $0x3  }
0x37: {  	[smem:$0x3FA7] =	sst s10  }
0x38: {  	s10 =	sld [smem:$0x3FA8]  }
0x39: {  	_ = 	snop;
	(pc) =	sbr.ind lr, $3  }
0x3a: {  	_ = 	snop  }
0x3b: {  	_ = 	snop  }
0x3c: {  	p2 =	seq.s32 s10, $0x1;
	s10 =	sld [smem:$0x3FA7]  }
0x3d: {  	_ =	shalt  }
0x3e: {  	_ =	shalt  }
0x3f: {  	_ =	shalt  }
0x40: {  	_ =	shalt  }
0x41: {  	_ =	shalt  }
0x42: {  	_ =	shalt  }
0x43: {  	_ =	shalt  }
0x44: {  	_ =	shalt  }
0x45: {  	_ =	shalt  }
0x46: {  	_ =	shalt  }
0x47: {  	_ =	shalt  }
0x48: {  	_ =	shalt  }
0x49: {  	_ =	shalt  }
0x4a: {  	_ =	shalt  }
0x4b: {  	_ =	shalt  }
0x4c: {  	_ =	shalt  }
0x4d: {  	_ =	shalt  }
0x4e: {  	_ =	shalt  }
0x4f: {  	_ =	shalt  }
0x50: {  	_ =	shalt  }
0x51: {  	_ =	shalt  }
0x52: {  	_ =	shalt  }
0x53: {  	_ =	shalt  }
0x54: {  	_ =	shalt  }
0x55: {  	_ =	shalt  }
0x56: {  	_ =	shalt  }
0x57: {  	_ =	shalt  }
0x58: {  	_ =	shalt  }
0x59: {  	_ =	shalt  }
0x5a: {  	_ =	shalt  }
0x5b: {  	_ =	shalt  }
0x5c: {  	_ =	shalt  }
0x5d: {  	_ =	shalt  }
0x5e: {  	_ =	shalt  }
0x5f: {  	_ =	shalt  }
0x60: {  	_ =	shalt  }
0x61: {  	_ =	shalt  }
0x62: {  	_ =	shalt  }
0x63: {  	_ =	shalt  }
0x64: {  	_ =	shalt  }
0x65: {  	_ =	shalt  }
0x66: {  	_ =	shalt  }
0x67: {  	_ =	shalt  }
0x68: {  	_ =	shalt  }
0x69: {  	_ =	shalt  }
0x6a: {  	_ =	shalt  }
0x6b: {  	_ =	shalt  }
0x6c: {  	_ =	shalt  }
0x6d: {  	_ =	shalt  }
0x6e: {  	_ =	shalt  }
0x6f: {  	_ =	shalt  }
0x70: {  	_ =	shalt  }
0x71: {  	_ =	shalt  }
0x72: {  	_ =	shalt  }
0x73: {  	_ =	shalt  }
0x74: {  	_ =	shalt  }
0x75: {  	_ =	shalt  }
0x76: {  	_ =	shalt  }
0x77: {  	_ =	shalt  }
0x78: {  	_ =	shalt  }
0x79: {  	_ =	shalt  }
0x7a: {  	_ =	shalt  }
0x7b: {  	_ =	shalt  }
0x7c: {  	_ =	shalt  }
0x7d: {  	_ =	shalt  }
0x7e: {  	_ =	shalt  }
0x7f: {  	_ =	shalt  }
0x80: {  	_ =	shalt  }
0x81: {  	_ =	shalt  }
0x82: {  	_ =	shalt  }
0x83: {  	_ =	shalt  }
0x84: {  	_ =	shalt  }
0x85: {  	_ =	shalt  }
0x86: {  	_ =	shalt  }
0x87: {  	_ =	shalt  }
.Lfunc_end0:
.L_simem_size_0:
called_computation.3_lowered:
.L_overlay_start_0:
0x88: {  	s2 =	sld [smem:$0x3FD9]  }
0x89: {  	s3 =	sld [smem:$0x3FFE];
	_ =	sdelay $0x1  }
0x8a: {  	s1 =	srdreg.scid  }
0x8b: {  	s0 =	sand.u32 $0x1, s1  }
0x8c: {  	s16 =	sshll.u32 s0, $0xA;
	s2 =	sadd.s32 s3, s2  }
0x8d: {  	s2 =	sadd.s32 s2, s16  }
0x8e: {  	[smem:$0x3FB3] =	sst s2  }
0x8f: {  	_ = 	snop  }
0x90: {  	(tm) =	ssettm $0x1  }
0x91: {  	s17 =	sld [smem:$0x3FFB];
	_ =	sdelay $0x3  }
0x92: {  	_ =	strace s17  }
0x93: {  	s2 =	sld [smem:$0x3FFC];
	_ =	sdelay $0x3  }
0x94: {  	_ =	strace s2  }
0x95: {  	s2 =	sld [smem:$0x3FFD];
	_ =	sdelay $0x3  }
0x96: {  	_ =	strace s2  }
0x97: {  	_ =	strace $0x8FFFFFFF  }
0x98: {  	s18 =	sld [smem:$0x3FDB];
	_ =	sdelay $0x1  }
0x99: {  	s19 =	simm.s32 $_scs_section_size  }
0x9a: {  	s4 =	simm.s32 $_size__tile_overlayer_lowered;
	s5 =	simm.s32 $_tile_overlayer_lowered  }
0x9b: {  	s22 =	simm.s32 $0x1BFF;
	s21 =	sshll.u32 s5, $0x1;
	s2 =	sadd.s32 s19, s18  }
0x9c: {  	s6 =	simm.s32 $0x0;
	s20 =	sshll.u32 s4, $0x1;
	s4 =	sadd.s32 s21, s2  }
0x9d: {  	[timem:s6], [sflag:s22] =	dma.local [hbm:s4], s20  }
0x9e: {  	_ =	swait.ge [sflag:s22], s20  }
0x9f: {  	s3 =	ssub.s32 $0x0, s20;
	[sflag:s22] =	ssyncset.done $0x0  }
0xa0: {  	[sflag:s22] =	ssyncadd.s32 s3;
	_ =	sdelay $0x1  }
0xa1: {  	s23 =	simm.s32 $0x1B8B  }
0xa2: {  	_ =	swait.ge [sflag:s23], $0x1  }
0xa3: {  	[sflag:s23] =	ssyncset.done $0x0  }
0xa4: {  	s25 =	simm.s32 $0x1B8E;
	s24 =	sld [smem:$0x3FFE];
	[sflag:s23] =	ssyncadd.s32 $0xFFFFFFFF  }
0xa5: {  	s26 =	simm.s32 $execute0_lowered;
	[smem:$0x3FD2] =	sst s25  }
0xa6: {  	s4 =	sshll.u32 s26, $0x1;
	_ =	strace $0x8000004F;
	[dreg:$0x1] =	wrdreg $0xFFFFFFFF  }
0xa7: {  	s28 =	simm.s32 $_size_execute0_lowered;
	s2 =	sadd.s32 s2, s4;
	[dreg:$0x0] =	wrdreg $0x0  }
0xa8: {  	s4 =	sshll.u32 s28, $0x1;
	[dreg:$0x2] =	wrdreg s2  }
0xa9: {  	[dreg:$0x3] =	wrdreg s4  }
0xaa: {  	[dreg:$0x4] =	wrdreg $0xC0  }
0xab: {  	_ =	task [dreg:s6], $0x5FFFF  }
0xac: {  	[dreg:$0x1] =	wrdreg $0xFFFFFFFF  }
0xad: {  	[dreg:$0x0] =	wrdreg $0x60  }
0xae: {  	[dreg:$0x2] =	wrdreg s24  }
0xaf: {  	[dreg:$0x3] =	wrdreg $0x9  }
0xb0: {  	_ =	task.clear_ibuf [dreg:s6], $0x4FFFF;
	_ =	strace $0x9000004F  }
0xb1: {  	s29 =	simm.s32 $0x9;
	_ =	strace $0x80000051  }
0xb2: {  	_ =	swait.ge [sflag:s29], $0x1  }
0xb3: {  	[sflag:s29] =	ssyncadd.s32 $0xFFFFFFFF  }
0xb4: {  	_ =	strace $0x90000051  }
0xb5: {  	_ =	sfence  }
0xb6: {  	s30 =	sld [smem:$0x0];
	_ =	sdelay $0x2  }
0xb7: {  	s31 =	sshll.u32 s1, $0xD;
	s1 =	sshrl.u32 s1, $0x2  }
0xb8: {  	s3 =	sand.u32 $0x4000, s31;
	s1 =	sadd.s32 s1, s30  }
0xb9: {  	s0 =	sor.u32 s3, s0;
	s1 =	sshll.u32 s1, $0x11  }
0xba: {  	s0 =	sor.u32 s1, s0  }
0xbb: {  	s0 =	sadd.s32 $0x8F2B, s0  }
0xbc: {  	[sflag:s0] =	ssyncadd.remote.s32 $0x1  }
0xbd: {  	_ =	sfence.sel $0xFFFF  }
0xbe: {  	[dreg:$0x0] =	wrdreg $0xFFFFFFFF;
	(pc) =	sbr.abs _section_cstart, $3  }
0xbf: {  	[dreg:$0x1] =	wrdreg $0xFFFFFFFF  }
0xc0: {  	_ =	task.clear_ibuf [dreg:s6], $0x2FFFF;
	_ =	strace $0x9FFFFFFF  }
0xc1: {  	(tm) =	ssettm $0x7FFFFFFF  }
tec
execute0_lowered:
.L_overlay_start_1:
0x0: {  	(tag) =	ssettag $0x1  }
0x1: {  	s8 =	rddreg [dreg:$0x0]  }
0x2: {  	_ =	strace $0x80000050;
	s3 =	simm.s32 $0x1;
	s1 =	srdreg.scid  }
0x3: {  	s0 =	stileid.u32;
	s10 =	simm.s32 $0x4;
	s11 =	simm.s32 $0x8000  }
0x4: {  	s12 =	simm.s32 $0xFFFFC000;
	s16 =	simm.s32 $0x0;
	s14 =	simm.s32 $0x0  }
0x5: {  	s13 =	simm.s32 $0x0;
	s2 =	sadd.s32 $0x124200, s8;
	s5 =	sshll.u32 s1, $0x4  }
.Ltmp0:
0x6: {  	s4 =	sadd.s32 $0x179200, s8;
	s6 =	sand.u32 $0x10, s5;
	(pc) =	sbr.rel .LBB2_1-.Ltmp0, $4  }
0x7: {  	[sflag:s3] =	ssyncpa.u1 $0x0;
	s5 =	simm.s32 $0x2;
	s7 =	sor.u32 s0, s6  }
0x8: {  	[sflag:s5] =	ssyncpa.u1 $0x0;
	s6 =	simm.s32 $0x3;
	s7 =	sshll.u32 s7, $0xF  }
0x9: {  	s8 =	sadd.s32 $0x199200, s8;
	[sflag:s6] =	ssyncpa.u1 $0x0;
	s9 =	sadd.s32 $0x8000, s7  }
0xa: {  	v0 =	vlaneseq.u32;
	vm0 =	vmmov $0xffff;
	[sflag:s10] =	ssyncpa.u1 $0x0;
	s10 =	simm.s32 $0x0;
	s15 =	smov.u32 s7  }
.LBB2_10:
0xb: {  	p0 =	slt.u32 s13, $0x3;
	s1 =	sadd.s32 $0x4000, s15  }
0xc: {  	s17 =	smov.u32 s7;
	s13 =	sadd.s32 $0x1, s13;
	p1 =	slt.s32 s1, s9  }
0xd: {  	s17 =	smov.u32 @p1 s1;
	p1 =	sne.s32 s13, $0x5  }
.Ltmp1:
0xe: {  	_ = 	snop;
	(pc) =	sbr.rel @!p1 .LBB2_11-.Ltmp1, $4  }
0xf: {  	s0 =	simm.s32 @!p0 $0x4  }
0x10: {  	s16 =	smov.u32 s14;
	_ =	swait.ge @!p0 [sflag:s0], $0x1000  }
0x11: {  	s14 =	smov.u32 s15;
	s11 =	sadd.s32 $0x4000, s11;
	[sflag:s0] =	ssyncset.done @!p0 $0x0  }
0x12: {  	s12 =	sadd.s32 $0x4000, s12;
	s15 =	smov.u32 s17;
	[sflag:s0] =	ssyncadd.s32 @!p0 $0xFFFFF000  }
.LBB2_1:
0x13: {  	p0 =	sgt.u32 s13, $0x1  }
0x14: {  	s31 =	sadd.s32 $0xFFFFFFFF, s13;
	s17 =	sshrl.u32 @!p0 s15, $0x3;
	s18 =	sshll.u32 @!p0 s13, $0xE  }
0x15: {  	s19 =	sand.u32 @!p0 $0x7, s15;
	s17 =	sadd.s32 @!p0 s4, s17;
	s18 =	sand.u32 @!p0 $0x3FFFC000, s18  }
0x16: {  	[tilespmem:s18], [sflag:$0x2] =	stream.linear.gather @!p0 [hbm4b:s17+s19], $0x4000, $0x38;
	[tilespmem:$0x16000] =	vst v63  }
0x17: {  	p0 =	sgt.u32 s31, $0x1  }
.Ltmp2:
0x18: {  	_ = 	snop;
	(pc) =	sbr.rel @p0 .LBB2_5-.Ltmp2, $1  }
0x19: {  	_ =	sdelay $0x3  }
0x1a: {  	_ =	swait.ge [sflag:s5], $0x4000  }
0x1b: {  	[sflag:s5] =	ssyncset.done $0x0  }
0x1c: {  	[sflag:s5] =	ssyncadd.s32 $0xFFFFC000;
	(ifvalue) =	ssetifvalue $0x7FFFFFFF;
	v1 =	vld.msk [tilespmem:s12+$0x0 ss:$0x1], $0xffff;
	_ =	sdelay $0x2  }
0x1d: {  	s17 =	sadd.s32 $0x10, s12  }
0x1e: {  	s19 =	ssub.s32 $0x100000, s14;
	v3 =	vld.msk [tilespmem:s17+$0x0 ss:$0x1], $0xffff  }
0x1f: {  	p0 =	slt.s32 s19, $0x4000;
	vm1 =	veq.s32 v1, $0x80000000;
	v2 =	vand.u32 $0x1FFF, v1;
	v1 =	vshrl.u32 v1, $0xD  }
0x20: {  	s19 =	simm.s32 @!p0 $0x4000;
	v2 =	vsel vm1, $0xFFFFFFFF, v2;
	v1 =	vand.u32 $0x7FF, v1  }
0x21: {  	p0 =	sgt.s32 s19, $0x0;
	s18 =	smov.u32 s19;
	v1 =	vsel vm1, $0xFFFFFFFF, v1;
	v4 =	vshrl.u32 v2, $0x3  }
0x22: {  	s18 =	simm.s32 @!p0 $0x0;
	v6 =	vshll.u32 v2, $0x7;
	v4 =	vmul.u32 $0x2400, v4;
	v5 =	vshll.u32 v1, $0x3  }
0x23: {  	s18 =	smin.u32 s18, $0x10;
	vm1 =	veq.s32 v3, $0x80000000;
	v1 =	vshll.u32 v1, $0x2;
	v5 =	vand.u32 $0xFFFFFC00, v5  }
0x24: {  	v4 =	vadd.s32 v4, v5;
	v5 =	vand.u32 $0x200, v6;
	v6 =	vmov s18  }
0x25: {  	v1 =	vand.u32 $0x1FC, v1;
	v4 =	vor.u32 v5, v4;
	vm2 =	vgt.u32 v6, v0  }
0x26: {  	v1 =	vor.u32 v1, v4;
	v4 =	vand.u32 $0x1FFF, v3;
	v3 =	vshrl.u32 v3, $0xD  }
0x27: {  	s18 =	sadd.s32 $0x10, s17;
	v5 =	vshrl.u32 v1, $0x2;
	v1 =	vsel vm1, $0xFFFFFFFF, v4;
	v3 =	vand.u32 $0x7FF, v3  }
0x28: {  	s19 =	sadd.s32 $0xFFFFFFF0, s19;
	v4 =	vnsel vm2, $0x7FFFFFFF, v5;
	v5 =	vld.msk [tilespmem:s18+$0x0 ss:$0x1], $0xffff;
	v3 =	vsel vm1, $0xFFFFFFFF, v3;
	v6 =	vshrl.u32 v1, $0x3  }
0x29: {  	p0 =	sgt.s32 s19, $0x0;
	s20 =	smov.u32 s19;
	v6 =	vmul.u32 $0x2400, v6;
	v7 =	vshll.u32 v3, $0x3  }
0x2a: {  	s20 =	simm.s32 @!p0 $0x0;
	v2 =	vand.u32 $0x3, v2;
	v8 =	vshll.u32 v1, $0x7;
	v7 =	vand.u32 $0xFFFFFC00, v7  }
0x2b: {  	s20 =	smin.u32 s20, $0x10;
	[tilespmem:s12+$0x0] =	vst v2;
	v3 =	vshll.u32 v3, $0x2;
	v2 =	vadd.s32 v6, v7;
	v6 =	vand.u32 $0x200, v8  }
0x2c: {  	s21 =	simm.s32 $0x20;
	v3 =	vand.u32 $0x1FC, v3;
	v7 =	vmov s20;
	v2 =	vor.u32 v6, v2  }
0x2d: {  	s22 =	sadd.s32 $0x10, s18;
	(ifvalue) =	ssetifvalue $0x7FFFFFFF;
	s20 =	smov.u32 s11;
	vm1 =	vgt.u32 v7, v0;
	vm2 =	veq.s32 v5, $0x80000000;
	v2 =	vor.u32 v3, v2  }
0x2e: {  	[tilespmem:s11], [sflag:$0x3] =	stream.indirect_vreg.gather [hbm4b:s2+s10], $0x1, v4, vm0, $0x4038;
	v3 =	vand.u32 $0x1FFF, v5;
	v4 =	vshrl.u32 v5, $0xD;
	v2 =	vshrl.u32 v2, $0x2;
	[tilespmem:$0x16000] =	vst v63  }
.LBB2_3:
0x2f: {  	v5 =	vld.msk [tilespmem:s22+$0x0 ss:$0x1], $0xffff;
	v3 =	vsel vm2, $0xFFFFFFFF, v3;
	v4 =	vand.u32 $0x7FF, v4;
	v2 =	vnsel vm1, $0x7FFFFFFF, v2  }
0x30: {  	s21 =	sadd.s32 $0x10, s21;
	s19 =	sadd.s32 $0xFFFFFFF0, s19;
	v4 =	vsel vm2, $0xFFFFFFFF, v4;
	v6 =	vshrl.u32 v3, $0x3  }
0x31: {  	p0 =	slt.u32 s21, $0x3FF0;
	p1 =	sgt.s32 s19, $0x0;
	s23 =	smov.u32 s19;
	v6 =	vmul.u32 $0x2400, v6;
	v7 =	vshll.u32 v4, $0x3  }
.Ltmp3:
0x32: {  	v9 =	vand.u32 $0x3, v1;
	v8 =	vshll.u32 v3, $0x7;
	v1 =	vmovc v3;
	s23 =	simm.s32 @!p1 $0x0;
	v7 =	vand.u32 $0xFFFFFC00, v7;
	(pc) =	sbr.rel @p0 .LBB2_3-.Ltmp3, $4  }
0x33: {  	s20 =	sadd.s32 $0x10, s20;
	v4 =	vshll.u32 v4, $0x2;
	s23 =	smin.u32 s23, $0x10;
	v3 =	vadd.s32 v6, v7;
	v6 =	vand.u32 $0x200, v8;
	[tilespmem:s17+$0x0] =	vst v9;
	(ifvalue) =	ssetifvalue $0x7FFFFFFF  }
0x34: {  	v4 =	vand.u32 $0x1FC, v4;
	v7 =	vmov s23;
	v3 =	vor.u32 v6, v3;
	[tilespmem:s20], [sflag:$0x3] =	stream.indirect_vreg.gather [hbm4b:s2+s10], $0x1, v2, vm0, $0x4038;
	[tilespmem:$0x16000] =	vst v63  }
0x35: {  	s17 =	smov.u32 s18;
	s18 =	smov.u32 s22;
	vm2 =	veq.s32 v5, $0x80000000;
	vm1 =	vgt.u32 v7, v0;
	v2 =	vor.u32 v4, v3  }
0x36: {  	s22 =	sadd.s32 $0x10, s22;
	v3 =	vand.u32 $0x1FFF, v5;
	v4 =	vshrl.u32 v5, $0xD;
	v2 =	vshrl.u32 v2, $0x2  }
0x37: {  	v3 =	vsel vm2, $0xFFFFFFFF, v3;
	v4 =	vand.u32 $0x7FF, v4  }
0x38: {  	v4 =	vsel vm2, $0xFFFFFFFF, v4;
	v5 =	vshrl.u32 v3, $0x3  }
0x39: {  	s19 =	sadd.s32 $0xFFFFFFF0, s19;
	v5 =	vmul.u32 $0x2400, v5;
	v6 =	vshll.u32 v4, $0x3  }
0x3a: {  	p0 =	sgt.s32 s19, $0x0;
	v7 =	vshll.u32 v3, $0x7;
	v6 =	vand.u32 $0xFFFFFC00, v6  }
0x3b: {  	s19 =	simm.s32 @!p0 $0x0;
	v62 =	vand.u32 $0x200, v7;
	v4 =	vshll.u32 v4, $0x2;
	v5 =	vadd.s32 v5, v6  }
0x3c: {  	s19 =	smin.u32 s19, $0x10;
	v4 =	vand.u32 $0x1FC, v4;
	v5 =	vor.u32 v62, v5  }
0x3d: {  	v2 =	vnsel vm1, $0x7FFFFFFF, v2;
	v63 =	vmov s19;
	v4 =	vor.u32 v4, v5  }
0x3e: {  	vm1 =	vgt.u32 v63, v0;
	v4 =	vshrl.u32 v4, $0x2  }
0x3f: {  	v4 =	vnsel vm1, $0x7FFFFFFF, v4  }
0x40: {  	v1 =	vand.u32 $0x3, v1  }
0x41: {  	s31 =	sadd.s32 $0x10, s20;
	[tilespmem:s17+$0x0] =	vst v1;
	(ifvalue) =	ssetifvalue $0x7FFFFFFF  }
0x42: {  	v1 =	vand.u32 $0x3, v3;
	[tilespmem:s31], [sflag:$0x3] =	stream.indirect_vreg.gather [hbm4b:s2+s10], $0x1, v2, vm0, $0x4038;
	[tilespmem:$0x16000] =	vst v63  }
0x43: {  	s17 =	sadd.s32 $0x10, s31;
	[tilespmem:s18+$0x0] =	vst v1;
	(ifvalue) =	ssetifvalue $0x7FFFFFFF  }
0x44: {  	[tilespmem:s17], [sflag:$0x3] =	stream.indirect_vreg.gather [hbm4b:s2+s10], $0x1, v4, vm0, $0x4038;
	[tilespmem:$0x16000] =	vst v63  }
.LBB2_5:
0x45: {  	p0 =	sgt.u32 s13, $0x4  }
.Ltmp4:
0x46: {  	_ = 	snop;
	(pc) =	sbr.rel @p0 .LBB2_7-.Ltmp4, $1  }
0x47: {  	_ =	sdelay $0x3  }
0x48: {  	s17 =	sshll.u32 s3, s13  }
0x49: {  	s17 =	sand.u32 $0x13, s17  }
0x4a: {  	p0 =	sne.s32 s17, $0x0  }
.Ltmp5:
0x4b: {  	_ = 	snop;
	(pc) =	sbr.rel @p0 .LBB2_10-.Ltmp5, $1  }
0x4c: {  	_ =	sdelay $0x3  }
.LBB2_7:
0x4d: {  	s17 =	sadd.s32 $0xFFFFFFFE, s13  }
0x4e: {  	s18 =	smulhi.u32 $0xAAAAAAAB, s17;
	_ =	sdelay $0x1  }
0x4f: {  	s18 =	sshrl.u32 s18, $0x1  }
0x50: {  	s18 =	smul.u32 $0x3, s18;
	_ =	sdelay $0x1  }
0x51: {  	s19 =	sand.u32 $0x1, s13;
	s17 =	ssub.s32 s17, s18  }
0x52: {  	s31 =	sshll.u32 s19, $0xE;
	s21 =	sshll.u32 s17, $0xE  }
0x53: {  	s20 =	sadd.s32 $0xC000, s31;
	v2 =	vmov s21  }
0x54: {  	_ =	swait.ge [sflag:s6], $0x4000;
	s19 =	sshll.u32 s19, $0xC;
	v1 =	vmov s20  }
0x55: {  	[sflag:s6] =	ssyncset.done $0x0;
	s17 =	sor.u32 $0x14000, s19  }
0x56: {  	[sflag:s6] =	ssyncadd.s32 $0xFFFFC000;
	s18 =	simm.s32 $0x0;
	v3 =	vmov s17  }
.LBB2_8:
0x57: {  	s19 =	sshll.u32 s18, $0x9  }
0x58: {  	s20 =	sand.u32 $0x3FFFFE00, s19;
	v5 =	vld.idx.msk [tilespmem:v2+s19+$0x0 ss:$0x1], $0xffff  }
0x59: {  	s26 =	sor.u32 $0x80, s19;
	v4 =	vld.idx.msk [tilespmem:v1+s20+$0x0 ss:$0x1], $0xffff  }
0x5a: {  	v6 =	vld.idx.msk [tilespmem:v1+s26+$0x0 ss:$0x1], $0xffff  }
0x5b: {  	s21 =	sor.u32 $0x100, s19;
	v7 =	vld.idx.msk [tilespmem:v2+s26+$0x0 ss:$0x1], $0xffff  }
0x5c: {  	v8 =	vld.idx.msk [tilespmem:v2+s21+$0x0 ss:$0x1], $0xffff  }
0x5d: {  	s23 =	sor.u32 $0x180, s19;
	v9 =	vld.idx.msk [tilespmem:v1+s21+$0x0 ss:$0x1], $0xffff  }
0x5e: {  	v10 =	vld.idx.msk [tilespmem:v2+s23+$0x0 ss:$0x1], $0xffff;
	_ =	sdelay $0x1  }
0x5f: {  	v11 =	vld.idx.msk [tilespmem:v1+s23+$0x0 ss:$0x1], $0xffff  }
0x60: {  	v5 =	vshll.u32 v5, $0x3;
	v7 =	vshll.u32 v7, $0x3  }
0x61: {  	v4 =	vshrl.u32 v4, v5;
	v30 =	vshll.u32 v8, $0x3;
	v5 =	vshrl.u32 v6, v7  }
0x62: {  	v31 =	vshll.u32 v10, $0x3;
	v6 =	vshrl.u32 v9, v30;
	v5 =	vshll.u32 v5, $0x8  }
0x63: {  	v4 =	vand.u32 $0xFF, v4;
	v6 =	vshll.u32 v6, $0x10;
	v5 =	vand.u32 $0xFF00, v5  }
0x64: {  	v32 =	vshrl.u32 v11, v31;
	v4 =	vor.u32 v4, v5;
	v5 =	vand.u32 $0xFF0000, v6  }
0x65: {  	v4 =	vor.u32 v5, v4;
	v5 =	vshll.u32 v32, $0x18  }
0x66: {  	s25 =	sshra.s32 s19, $0x2;
	v4 =	vor.u32 v5, v4  }
0x67: {  	s28 =	sor.u32 $0x10, s19;
	[tilespmem:v3+s25+$0x0 ss:$0x1] =	vst.idx.msk $0xffff, v4  }
0x68: {  	v4 =	vld.idx.msk [tilespmem:v1+s28+$0x0 ss:$0x1], $0xffff  }
0x69: {  	s29 =	sor.u32 $0x90, s19;
	v5 =	vld.idx.msk [tilespmem:v2+s28+$0x0 ss:$0x1], $0xffff  }
0x6a: {  	v33 =	vld.idx.msk [tilespmem:v1+s29+$0x0 ss:$0x1], $0xffff  }
0x6b: {  	s30 =	sor.u32 $0x110, s19;
	v34 =	vld.idx.msk [tilespmem:v2+s29+$0x0 ss:$0x1], $0xffff  }
0x6c: {  	v35 =	vld.idx.msk [tilespmem:v2+s30+$0x0 ss:$0x1], $0xffff  }
0x6d: {  	s31 =	sor.u32 $0x190, s19;
	v36 =	vld.idx.msk [tilespmem:v1+s30+$0x0 ss:$0x1], $0xffff  }
0x6e: {  	v37 =	vld.idx.msk [tilespmem:v2+s31+$0x0 ss:$0x1], $0xffff;
	_ =	sdelay $0x1  }
0x6f: {  	v38 =	vld.idx.msk [tilespmem:v1+s31+$0x0 ss:$0x1], $0xffff  }
0x70: {  	v5 =	vshll.u32 v5, $0x3;
	v7 =	vshll.u32 v34, $0x3  }
0x71: {  	v39 =	vshll.u32 v35, $0x3;
	v4 =	vshrl.u32 v4, v5;
	v5 =	vshrl.u32 v33, v7  }
0x72: {  	v40 =	vshll.u32 v37, $0x3;
	v6 =	vshrl.u32 v36, v39;
	v5 =	vshll.u32 v5, $0x8  }
0x73: {  	v4 =	vand.u32 $0xFF, v4;
	v6 =	vshll.u32 v6, $0x10;
	v5 =	vand.u32 $0xFF00, v5  }
0x74: {  	v41 =	vshrl.u32 v38, v40;
	v4 =	vor.u32 v4, v5;
	v5 =	vand.u32 $0xFF0000, v6  }
0x75: {  	s20 =	sor.u32 $0x40, s19;
	v4 =	vor.u32 v5, v4;
	v5 =	vshll.u32 v41, $0x18  }
0x76: {  	s22 =	sshra.s32 s20, $0x2;
	v4 =	vor.u32 v5, v4  }
0x77: {  	s0 =	sor.u32 $0x20, s19;
	[tilespmem:v3+s22+$0x0 ss:$0x1] =	vst.idx.msk $0xffff, v4  }
0x78: {  	v4 =	vld.idx.msk [tilespmem:v1+s0+$0x0 ss:$0x1], $0xffff  }
0x79: {  	s1 =	sor.u32 $0xA0, s19;
	v5 =	vld.idx.msk [tilespmem:v2+s0+$0x0 ss:$0x1], $0xffff  }
0x7a: {  	v42 =	vld.idx.msk [tilespmem:v1+s1+$0x0 ss:$0x1], $0xffff  }
0x7b: {  	s24 =	sor.u32 $0x120, s19;
	v43 =	vld.idx.msk [tilespmem:v2+s1+$0x0 ss:$0x1], $0xffff  }
0x7c: {  	v44 =	vld.idx.msk [tilespmem:v2+s24+$0x0 ss:$0x1], $0xffff  }
0x7d: {  	s25 =	sor.u32 $0x1A0, s19;
	v45 =	vld.idx.msk [tilespmem:v1+s24+$0x0 ss:$0x1], $0xffff  }
0x7e: {  	v46 =	vld.idx.msk [tilespmem:v2+s25+$0x0 ss:$0x1], $0xffff;
	_ =	sdelay $0x1  }
0x7f: {  	s28 =	sor.u32 $0x200, s19;
	v47 =	vld.idx.msk [tilespmem:v1+s25+$0x0 ss:$0x1], $0xffff  }
0x80: {  	s29 =	sand.u32 $0x3FFFFE00, s28;
	v49 =	vld.idx.msk [tilespmem:v2+s28+$0x0 ss:$0x1], $0xffff;
	v5 =	vshll.u32 v5, $0x3;
	v7 =	vshll.u32 v43, $0x3  }
0x81: {  	v12 =	vld.idx.msk [tilespmem:v1+s29+$0x0 ss:$0x1], $0xffff;
	s25 =	sor.u32 $0x280, s19;
	v48 =	vshll.u32 v44, $0x3;
	v4 =	vshrl.u32 v4, v5;
	v5 =	vshrl.u32 v42, v7  }
0x82: {  	v50 =	vld.idx.msk [tilespmem:v1+s25+$0x0 ss:$0x1], $0xffff;
	v51 =	vshll.u32 v46, $0x3;
	v6 =	vshrl.u32 v45, v48;
	v5 =	vshll.u32 v5, $0x8  }
0x83: {  	s24 =	sor.u32 $0x300, s19;
	v52 =	vld.idx.msk [tilespmem:v2+s25+$0x0 ss:$0x1], $0xffff;
	v4 =	vand.u32 $0xFF, v4;
	v6 =	vshll.u32 v6, $0x10;
	v5 =	vand.u32 $0xFF00, v5  }
0x84: {  	v54 =	vld.idx.msk [tilespmem:v2+s24+$0x0 ss:$0x1], $0xffff;
	v53 =	vshrl.u32 v47, v51;
	v4 =	vor.u32 v4, v5;
	v5 =	vand.u32 $0xFF0000, v6  }
0x85: {  	s22 =	sor.u32 $0x380, s19;
	v55 =	vld.idx.msk [tilespmem:v1+s24+$0x0 ss:$0x1], $0xffff;
	v4 =	vor.u32 v5, v4;
	v5 =	vshll.u32 v53, $0x18  }
0x86: {  	s26 =	sshra.s32 s26, $0x2;
	v4 =	vor.u32 v5, v4;
	v5 =	vld.idx.msk [tilespmem:v2+s22+$0x0 ss:$0x1], $0xffff  }
0x87: {  	s30 =	sor.u32 $0x30, s19;
	[tilespmem:v3+s26+$0x0 ss:$0x1] =	vst.idx.msk $0xffff, v4;
	v4 =	vld.idx.msk [tilespmem:v1+s22+$0x0 ss:$0x1], $0xffff  }
0x88: {  	v56 =	vld.idx.msk [tilespmem:v1+s30+$0x0 ss:$0x1], $0xffff  }
0x89: {  	s31 =	sor.u32 $0xB0, s19;
	v7 =	vshll.u32 v49, $0x3;
	v10 =	vshll.u32 v52, $0x3;
	v13 =	vld.idx.msk [tilespmem:v2+s30+$0x0 ss:$0x1], $0xffff  }
0x8a: {  	v9 =	vshll.u32 v54, $0x3;
	v7 =	vshrl.u32 v12, v7;
	v8 =	vshrl.u32 v50, v10;
	v57 =	vld.idx.msk [tilespmem:v1+s31+$0x0 ss:$0x1], $0xffff  }
0x8b: {  	s0 =	sor.u32 $0x130, s19;
	v7 =	vand.u32 $0xFF, v7;
	v8 =	vshll.u32 v8, $0x8;
	v6 =	vshrl.u32 v55, v9;
	v58 =	vld.idx.msk [tilespmem:v2+s31+$0x0 ss:$0x1], $0xffff  }
0x8c: {  	s1 =	sor.u32 $0x1B0, s19;
	v8 =	vand.u32 $0xFF00, v8;
	v6 =	vshll.u32 v6, $0x10;
	v59 =	vld.idx.msk [tilespmem:v2+s0+$0x0 ss:$0x1], $0xffff;
	v5 =	vshll.u32 v5, $0x3  }
0x8d: {  	v7 =	vor.u32 v7, v8;
	v6 =	vand.u32 $0xFF0000, v6;
	v60 =	vld.idx.msk [tilespmem:v2+s1+$0x0 ss:$0x1], $0xffff;
	v4 =	vshrl.u32 v4, v5  }
0x8e: {  	v6 =	vor.u32 v6, v7;
	v5 =	vld.idx.msk [tilespmem:v1+s0+$0x0 ss:$0x1], $0xffff;
	v4 =	vshll.u32 v4, $0x18  }
0x8f: {  	s28 =	sshrl.u32 s28, $0x2;
	v4 =	vor.u32 v4, v6  }
0x90: {  	v61 =	vld.idx.msk [tilespmem:v1+s1+$0x0 ss:$0x1], $0xffff;
	[tilespmem:v3+s28+$0x0 ss:$0x1] =	vst.idx.msk $0xffff, v4;
	s28 =	sor.u32 $0x210, s19  }
0x91: {  	v62 =	vshll.u32 v58, $0x3;
	v15 =	vshll.u32 v59, $0x3;
	v63 =	vld.idx.msk [tilespmem:v1+s28+$0x0 ss:$0x1], $0xffff  }
0x92: {  	s29 =	sor.u32 $0x290, s19;
	v7 =	vshll.u32 v60, $0x3;
	v8 =	vshrl.u32 v57, v62;
	v4 =	vshll.u32 v13, $0x3;
	v16 =	vld.idx.msk [tilespmem:v2+s28+$0x0 ss:$0x1], $0xffff  }
0x93: {  	v8 =	vshll.u32 v8, $0x8;
	v4 =	vshrl.u32 v56, v4;
	v17 =	vld.idx.msk [tilespmem:v1+s29+$0x0 ss:$0x1], $0xffff;
	v5 =	vshrl.u32 v5, v15  }
0x94: {  	s30 =	sor.u32 $0x310, s19;
	v8 =	vand.u32 $0xFF00, v8;
	v18 =	vld.idx.msk [tilespmem:v2+s29+$0x0 ss:$0x1], $0xffff;
	v4 =	vand.u32 $0xFF, v4;
	v5 =	vshll.u32 v5, $0x10  }
0x95: {  	v6 =	vshrl.u32 v61, v7;
	v19 =	vld.idx.msk [tilespmem:v2+s30+$0x0 ss:$0x1], $0xffff;
	v4 =	vor.u32 v4, v8;
	v5 =	vand.u32 $0xFF0000, v5  }
0x96: {  	s31 =	sor.u32 $0xC0, s19;
	s0 =	sor.u32 $0x390, s19;
	v20 =	vld.idx.msk [tilespmem:v1+s30+$0x0 ss:$0x1], $0xffff;
	v4 =	vor.u32 v5, v4;
	v5 =	vshll.u32 v6, $0x18  }
0x97: {  	s29 =	sshra.s32 s31, $0x2;
	v4 =	vor.u32 v5, v4;
	v5 =	vld.idx.msk [tilespmem:v2+s0+$0x0 ss:$0x1], $0xffff  }
0x98: {  	[tilespmem:v3+s29+$0x0 ss:$0x1] =	vst.idx.msk $0xffff, v4;
	v4 =	vld.idx.msk [tilespmem:v1+s0+$0x0 ss:$0x1], $0xffff  }
0x99: {  	v21 =	vld.idx.msk [tilespmem:v1+s20+$0x0 ss:$0x1], $0xffff  }
0x9a: {  	v11 =	vshll.u32 v16, $0x3;
	v12 =	vshll.u32 v18, $0x3;
	v22 =	vld.idx.msk [tilespmem:v2+s20+$0x0 ss:$0x1], $0xffff  }
0x9b: {  	v7 =	vshll.u32 v19, $0x3;
	v9 =	vshrl.u32 v63, v11;
	v10 =	vshrl.u32 v17, v12;
	v23 =	vld.idx.msk [tilespmem:v1+s31+$0x0 ss:$0x1], $0xffff  }
0x9c: {  	s28 =	sor.u32 $0x140, s19;
	v6 =	vshrl.u32 v20, v7;
	v9 =	vand.u32 $0xFF, v9;
	v10 =	vshll.u32 v10, $0x8;
	v24 =	vld.idx.msk [tilespmem:v2+s31+$0x0 ss:$0x1], $0xffff  }
0x9d: {  	v6 =	vshll.u32 v6, $0x10;
	v25 =	vld.idx.msk [tilespmem:v2+s28+$0x0 ss:$0x1], $0xffff;
	s20 =	sor.u32 $0x1C0, s19;
	v10 =	vand.u32 $0xFF00, v10;
	v5 =	vshll.u32 v5, $0x3  }
0x9e: {  	v6 =	vand.u32 $0xFF0000, v6;
	v26 =	vld.idx.msk [tilespmem:v2+s20+$0x0 ss:$0x1], $0xffff;
	v9 =	vor.u32 v9, v10;
	v4 =	vshrl.u32 v4, v5  }
0x9f: {  	s26 =	sor.u32 $0x240, s19;
	v6 =	vor.u32 v6, v9;
	v5 =	vld.idx.msk [tilespmem:v1+s28+$0x0 ss:$0x1], $0xffff;
	v4 =	vshll.u32 v4, $0x18  }
0xa0: {  	s1 =	sshrl.u32 s26, $0x2;
	v4 =	vor.u32 v4, v6  }
0xa1: {  	s30 =	sor.u32 $0x220, s19;
	v27 =	vld.idx.msk [tilespmem:v1+s20+$0x0 ss:$0x1], $0xffff;
	[tilespmem:v3+s1+$0x0 ss:$0x1] =	vst.idx.msk $0xffff, v4  }
0xa2: {  	v7 =	vshll.u32 v24, $0x3;
	v29 =	vshll.u32 v25, $0x3;
	v28 =	vld.idx.msk [tilespmem:v1+s30+$0x0 ss:$0x1], $0xffff  }
0xa3: {  	s31 =	sor.u32 $0x2A0, s19;
	v7 =	vshrl.u32 v23, v7;
	v9 =	vshll.u32 v26, $0x3;
	v4 =	vshll.u32 v22, $0x3;
	v30 =	vld.idx.msk [tilespmem:v2+s30+$0x0 ss:$0x1], $0xffff  }
0xa4: {  	v7 =	vshll.u32 v7, $0x8;
	v4 =	vshrl.u32 v21, v4;
	v31 =	vld.idx.msk [tilespmem:v1+s31+$0x0 ss:$0x1], $0xffff;
	v5 =	vshrl.u32 v5, v29  }
0xa5: {  	s0 =	sor.u32 $0x320, s19;
	v7 =	vand.u32 $0xFF00, v7;
	v32 =	vld.idx.msk [tilespmem:v2+s31+$0x0 ss:$0x1], $0xffff;
	v4 =	vand.u32 $0xFF, v4;
	v5 =	vshll.u32 v5, $0x10  }
0xa6: {  	v6 =	vshrl.u32 v27, v9;
	v33 =	vld.idx.msk [tilespmem:v2+s0+$0x0 ss:$0x1], $0xffff;
	v4 =	vor.u32 v4, v7;
	v5 =	vand.u32 $0xFF0000, v5  }
0xa7: {  	s1 =	sor.u32 $0x3A0, s19;
	v34 =	vld.idx.msk [tilespmem:v1+s0+$0x0 ss:$0x1], $0xffff;
	v4 =	vor.u32 v5, v4;
	v5 =	vshll.u32 v6, $0x18  }
0xa8: {  	s21 =	sshra.s32 s21, $0x2;
	v4 =	vor.u32 v5, v4;
	v5 =	vld.idx.msk [tilespmem:v2+s1+$0x0 ss:$0x1], $0xffff  }
0xa9: {  	s30 =	sor.u32 $0x50, s19;
	[tilespmem:v3+s21+$0x0 ss:$0x1] =	vst.idx.msk $0xffff, v4;
	v4 =	vld.idx.msk [tilespmem:v1+s1+$0x0 ss:$0x1], $0xffff  }
0xaa: {  	v35 =	vld.idx.msk [tilespmem:v1+s30+$0x0 ss:$0x1], $0xffff  }
0xab: {  	s31 =	sor.u32 $0xD0, s19;
	v11 =	vshll.u32 v30, $0x3;
	v12 =	vshll.u32 v32, $0x3;
	v36 =	vld.idx.msk [tilespmem:v2+s30+$0x0 ss:$0x1], $0xffff  }
0xac: {  	v7 =	vshll.u32 v33, $0x3;
	v10 =	vshrl.u32 v28, v11;
	v8 =	vshrl.u32 v31, v12;
	v37 =	vld.idx.msk [tilespmem:v1+s31+$0x0 ss:$0x1], $0xffff  }
0xad: {  	s0 =	sor.u32 $0x150, s19;
	v6 =	vshrl.u32 v34, v7;
	v10 =	vand.u32 $0xFF, v10;
	v8 =	vshll.u32 v8, $0x8;
	v38 =	vld.idx.msk [tilespmem:v2+s31+$0x0 ss:$0x1], $0xffff  }
0xae: {  	s1 =	sor.u32 $0x1D0, s19;
	v6 =	vshll.u32 v6, $0x10;
	v39 =	vld.idx.msk [tilespmem:v2+s0+$0x0 ss:$0x1], $0xffff;
	v8 =	vand.u32 $0xFF00, v8;
	v5 =	vshll.u32 v5, $0x3  }
0xaf: {  	v40 =	vld.idx.msk [tilespmem:v2+s1+$0x0 ss:$0x1], $0xffff;
	v6 =	vand.u32 $0xFF0000, v6;
	v8 =	vor.u32 v10, v8;
	v4 =	vshrl.u32 v4, v5  }
0xb0: {  	v6 =	vor.u32 v6, v8;
	v5 =	vld.idx.msk [tilespmem:v1+s0+$0x0 ss:$0x1], $0xffff;
	v4 =	vshll.u32 v4, $0x18  }
0xb1: {  	s25 =	sshrl.u32 s25, $0x2;
	v4 =	vor.u32 v4, v6  }
0xb2: {  	v41 =	vld.idx.msk [tilespmem:v1+s1+$0x0 ss:$0x1], $0xffff;
	[tilespmem:v3+s25+$0x0 ss:$0x1] =	vst.idx.msk $0xffff, v4;
	s25 =	sor.u32 $0x230, s19  }
0xb3: {  	v7 =	vshll.u32 v38, $0x3;
	v43 =	vshll.u32 v39, $0x3;
	v42 =	vld.idx.msk [tilespmem:v1+s25+$0x0 ss:$0x1], $0xffff  }
0xb4: {  	s29 =	sor.u32 $0x2B0, s19;
	v8 =	vshll.u32 v40, $0x3;
	v7 =	vshrl.u32 v37, v7;
	v4 =	vshll.u32 v36, $0x3;
	v44 =	vld.idx.msk [tilespmem:v2+s25+$0x0 ss:$0x1], $0xffff  }
0xb5: {  	v7 =	vshll.u32 v7, $0x8;
	v4 =	vshrl.u32 v35, v4;
	v45 =	vld.idx.msk [tilespmem:v1+s29+$0x0 ss:$0x1], $0xffff;
	v5 =	vshrl.u32 v5, v43  }
0xb6: {  	s30 =	sor.u32 $0x330, s19;
	v7 =	vand.u32 $0xFF00, v7;
	v46 =	vld.idx.msk [tilespmem:v2+s29+$0x0 ss:$0x1], $0xffff;
	v4 =	vand.u32 $0xFF, v4;
	v5 =	vshll.u32 v5, $0x10  }
0xb7: {  	v6 =	vshrl.u32 v41, v8;
	v47 =	vld.idx.msk [tilespmem:v2+s30+$0x0 ss:$0x1], $0xffff;
	v4 =	vor.u32 v4, v7;
	v5 =	vand.u32 $0xFF0000, v5  }
0xb8: {  	s31 =	sor.u32 $0x3B0, s19;
	v48 =	vld.idx.msk [tilespmem:v1+s30+$0x0 ss:$0x1], $0xffff;
	v4 =	vor.u32 v5, v4;
	v5 =	vshll.u32 v6, $0x18  }
0xb9: {  	s0 =	sshra.s32 s28, $0x2;
	v4 =	vor.u32 v5, v4;
	v5 =	vld.idx.msk [tilespmem:v2+s31+$0x0 ss:$0x1], $0xffff  }
0xba: {  	s1 =	sor.u32 $0x60, s19;
	[tilespmem:v3+s0+$0x0 ss:$0x1] =	vst.idx.msk $0xffff, v4;
	v4 =	vld.idx.msk [tilespmem:v1+s31+$0x0 ss:$0x1], $0xffff  }
0xbb: {  	v49 =	vld.idx.msk [tilespmem:v1+s1+$0x0 ss:$0x1], $0xffff  }
0xbc: {  	s25 =	sor.u32 $0xE0, s19;
	v11 =	vshll.u32 v44, $0x3;
	v12 =	vshll.u32 v46, $0x3;
	v50 =	vld.idx.msk [tilespmem:v2+s1+$0x0 ss:$0x1], $0xffff  }
0xbd: {  	v7 =	vshll.u32 v47, $0x3;
	v10 =	vshrl.u32 v42, v11;
	v9 =	vshrl.u32 v45, v12;
	v51 =	vld.idx.msk [tilespmem:v1+s25+$0x0 ss:$0x1], $0xffff  }
0xbe: {  	s28 =	sor.u32 $0x160, s19;
	v6 =	vshrl.u32 v48, v7;
	v10 =	vand.u32 $0xFF, v10;
	v9 =	vshll.u32 v9, $0x8;
	v52 =	vld.idx.msk [tilespmem:v2+s25+$0x0 ss:$0x1], $0xffff  }
0xbf: {  	s29 =	sor.u32 $0x1E0, s19;
	v6 =	vshll.u32 v6, $0x10;
	v53 =	vld.idx.msk [tilespmem:v2+s28+$0x0 ss:$0x1], $0xffff;
	v9 =	vand.u32 $0xFF00, v9;
	v5 =	vshll.u32 v5, $0x3  }
0xc0: {  	v54 =	vld.idx.msk [tilespmem:v2+s29+$0x0 ss:$0x1], $0xffff;
	v6 =	vand.u32 $0xFF0000, v6;
	v9 =	vor.u32 v10, v9;
	v4 =	vshrl.u32 v4, v5  }
0xc1: {  	s30 =	sor.u32 $0x2C0, s19;
	v6 =	vor.u32 v6, v9;
	v5 =	vld.idx.msk [tilespmem:v1+s28+$0x0 ss:$0x1], $0xffff;
	v4 =	vshll.u32 v4, $0x18  }
0xc2: {  	s31 =	sshrl.u32 s30, $0x2;
	v4 =	vor.u32 v4, v6  }
0xc3: {  	v55 =	vld.idx.msk [tilespmem:v1+s29+$0x0 ss:$0x1], $0xffff;
	[tilespmem:v3+s31+$0x0 ss:$0x1] =	vst.idx.msk $0xffff, v4  }
0xc4: {  	v7 =	vshll.u32 v52, $0x3;
	v57 =	vshll.u32 v53, $0x3;
	v56 =	vld.idx.msk [tilespmem:v1+s26+$0x0 ss:$0x1], $0xffff  }
0xc5: {  	v60 =	vshll.u32 v54, $0x3;
	v7 =	vshrl.u32 v51, v7;
	v4 =	vshll.u32 v50, $0x3;
	v58 =	vld.idx.msk [tilespmem:v2+s26+$0x0 ss:$0x1], $0xffff  }
0xc6: {  	v7 =	vshll.u32 v7, $0x8;
	v4 =	vshrl.u32 v49, v4;
	v59 =	vld.idx.msk [tilespmem:v1+s30+$0x0 ss:$0x1], $0xffff;
	v5 =	vshrl.u32 v5, v57  }
0xc7: {  	s28 =	sor.u32 $0x340, s19;
	v7 =	vand.u32 $0xFF00, v7;
	v61 =	vld.idx.msk [tilespmem:v2+s30+$0x0 ss:$0x1], $0xffff;
	v4 =	vand.u32 $0xFF, v4;
	v5 =	vshll.u32 v5, $0x10  }
0xc8: {  	v6 =	vshrl.u32 v55, v60;
	v62 =	vld.idx.msk [tilespmem:v2+s28+$0x0 ss:$0x1], $0xffff;
	v4 =	vor.u32 v4, v7;
	v5 =	vand.u32 $0xFF0000, v5  }
0xc9: {  	s21 =	sor.u32 $0x3C0, s19;
	v63 =	vld.idx.msk [tilespmem:v1+s28+$0x0 ss:$0x1], $0xffff;
	v4 =	vor.u32 v5, v4;
	v5 =	vshll.u32 v6, $0x18  }
0xca: {  	s23 =	sshra.s32 s23, $0x2;
	v16 =	vld.idx.msk [tilespmem:v1+s21+$0x0 ss:$0x1], $0xffff;
	v4 =	vor.u32 v5, v4  }
0xcb: {  	s0 =	sor.u32 $0x70, s19;
	v5 =	vld.idx.msk [tilespmem:v2+s21+$0x0 ss:$0x1], $0xffff;
	[tilespmem:v3+s23+$0x0 ss:$0x1] =	vst.idx.msk $0xffff, v4  }
0xcc: {  	v8 =	vld.idx.msk [tilespmem:v1+s0+$0x0 ss:$0x1], $0xffff  }
0xcd: {  	s1 =	sor.u32 $0xF0, s19;
	v17 =	vshll.u32 v61, $0x3;
	v4 =	vshll.u32 v58, $0x3;
	v9 =	vld.idx.msk [tilespmem:v2+s0+$0x0 ss:$0x1], $0xffff  }
0xce: {  	v7 =	vshll.u32 v62, $0x3;
	v11 =	vshrl.u32 v59, v17;
	s23 =	sor.u32 $0x580, s19;
	v4 =	vshrl.u32 v56, v4;
	v10 =	vld.idx.msk [tilespmem:v1+s1+$0x0 ss:$0x1], $0xffff  }
0xcf: {  	v6 =	vshrl.u32 v63, v7;
	v33 =	vld.idx.msk [tilespmem:v2+s23+$0x0 ss:$0x1], $0xffff;
	v18 =	vand.u32 $0xFF, v4;
	v4 =	vshll.u32 v11, $0x8  }
0xd0: {  	s25 =	sor.u32 $0x170, s19;
	v6 =	vshll.u32 v6, $0x10;
	v11 =	vld.idx.msk [tilespmem:v2+s1+$0x0 ss:$0x1], $0xffff;
	v19 =	vand.u32 $0xFF00, v4;
	v5 =	vshll.u32 v5, $0x3  }
0xd1: {  	v20 =	vand.u32 $0xFF0000, v6;
	v6 =	vld.idx.msk [tilespmem:v2+s25+$0x0 ss:$0x1], $0xffff;
	v7 =	vor.u32 v18, v19;
	v5 =	vshrl.u32 v16, v5  }
0xd2: {  	s1 =	sor.u32 $0x400, s19;
	v4 =	vld.idx.msk [tilespmem:v1+s25+$0x0 ss:$0x1], $0xffff;
	v7 =	vor.u32 v20, v7;
	v21 =	vshll.u32 v5, $0x18  }
0xd3: {  	s24 =	sshrl.u32 s24, $0x2;
	v25 =	vld.idx.msk [tilespmem:v2+s1+$0x0 ss:$0x1], $0xffff;
	s25 =	sor.u32 $0x480, s19;
	v12 =	vor.u32 v21, v7  }
0xd4: {  	s29 =	sor.u32 $0x250, s19;
	v26 =	vld.idx.msk [tilespmem:v1+s25+$0x0 ss:$0x1], $0xffff;
	[tilespmem:v3+s24+$0x0 ss:$0x1] =	vst.idx.msk $0xffff, v12  }
0xd5: {  	v12 =	vld.idx.msk [tilespmem:v1+s29+$0x0 ss:$0x1], $0xffff  }
0xd6: {  	s30 =	sor.u32 $0x2D0, s19;
	v22 =	vld.idx.msk [tilespmem:v2+s29+$0x0 ss:$0x1], $0xffff  }
0xd7: {  	v14 =	vld.idx.msk [tilespmem:v1+s30+$0x0 ss:$0x1], $0xffff  }
0xd8: {  	s31 =	sor.u32 $0x350, s19;
	v15 =	vld.idx.msk [tilespmem:v2+s30+$0x0 ss:$0x1], $0xffff  }
0xd9: {  	s0 =	sor.u32 $0x3D0, s19;
	v16 =	vld.idx.msk [tilespmem:v2+s31+$0x0 ss:$0x1], $0xffff  }
0xda: {  	v18 =	vld.idx.msk [tilespmem:v2+s0+$0x0 ss:$0x1], $0xffff  }
0xdb: {  	v17 =	vld.idx.msk [tilespmem:v1+s31+$0x0 ss:$0x1], $0xffff  }
0xdc: {  	v28 =	vld.idx.msk [tilespmem:v2+s25+$0x0 ss:$0x1], $0xffff  }
0xdd: {  	s26 =	sor.u32 $0x1F0, s19;
	v19 =	vld.idx.msk [tilespmem:v1+s0+$0x0 ss:$0x1], $0xffff  }
0xde: {  	v5 =	vld.idx.msk [tilespmem:v1+s26+$0x0 ss:$0x1], $0xffff;
	v13 =	vshll.u32 v22, $0x3;
	v15 =	vshll.u32 v15, $0x3  }
0xdf: {  	v7 =	vld.idx.msk [tilespmem:v2+s26+$0x0 ss:$0x1], $0xffff;
	s26 =	sand.u32 $0x3FFFFE00, s1;
	v24 =	vshll.u32 v16, $0x3;
	v27 =	vshll.u32 v18, $0x3;
	v23 =	vshrl.u32 v14, v15  }
0xe0: {  	v20 =	vld.idx.msk [tilespmem:v1+s26+$0x0 ss:$0x1], $0xffff;
	s26 =	sor.u32 $0x500, s19;
	v12 =	vshrl.u32 v12, v13;
	v14 =	vshrl.u32 v17, v24;
	v13 =	vshll.u32 v23, $0x8  }
0xe1: {  	v21 =	vld.idx.msk [tilespmem:v2+s26+$0x0 ss:$0x1], $0xffff;
	v12 =	vand.u32 $0xFF, v12;
	v14 =	vshll.u32 v14, $0x10;
	v13 =	vand.u32 $0xFF00, v13  }
0xe2: {  	v32 =	vld.idx.msk [tilespmem:v1+s26+$0x0 ss:$0x1], $0xffff;
	v30 =	vshrl.u32 v19, v27;
	v29 =	vand.u32 $0xFF0000, v14;
	v12 =	vor.u32 v12, v13  }
0xe3: {  	v31 =	vshll.u32 v30, $0x18;
	v12 =	vor.u32 v29, v12  }
0xe4: {  	s28 =	sshrl.u32 s28, $0x2;
	v34 =	vld.idx.msk [tilespmem:v1+s23+$0x0 ss:$0x1], $0xffff;
	v12 =	vor.u32 v31, v12  }
0xe5: {  	v38 =	vshll.u32 v33, $0x3;
	s29 =	sor.u32 $0x260, s19;
	v18 =	vshll.u32 v28, $0x3;
	[tilespmem:v3+s28+$0x0 ss:$0x1] =	vst.idx.msk $0xffff, v12  }
0xe6: {  	v35 =	vshll.u32 v21, $0x3;
	v15 =	vshll.u32 v25, $0x3;
	v18 =	vshrl.u32 v26, v18;
	v16 =	vld.idx.msk [tilespmem:v1+s29+$0x0 ss:$0x1], $0xffff  }
0xe7: {  	s30 =	sor.u32 $0x2E0, s19;
	v15 =	vshrl.u32 v20, v15;
	v36 =	vshll.u32 v18, $0x8;
	v14 =	vshrl.u32 v32, v35;
	v19 =	vld.idx.msk [tilespmem:v2+s29+$0x0 ss:$0x1], $0xffff  }
0xe8: {  	v15 =	vand.u32 $0xFF, v15;
	v37 =	vand.u32 $0xFF00, v36;
	v14 =	vshll.u32 v14, $0x10;
	v17 =	vld.idx.msk [tilespmem:v1+s30+$0x0 ss:$0x1], $0xffff  }
0xe9: {  	s31 =	sor.u32 $0x360, s19;
	v20 =	vor.u32 v15, v37;
	v14 =	vand.u32 $0xFF0000, v14;
	v12 =	vshrl.u32 v34, v38;
	v18 =	vld.idx.msk [tilespmem:v2+s30+$0x0 ss:$0x1], $0xffff  }
0xea: {  	v14 =	vor.u32 v14, v20;
	v13 =	vld.idx.msk [tilespmem:v1+s31+$0x0 ss:$0x1], $0xffff;
	v39 =	vshll.u32 v12, $0x18  }
0xeb: {  	s24 =	sshrl.u32 s1, $0x2;
	s0 =	sor.u32 $0x3E0, s19;
	v15 =	vld.idx.msk [tilespmem:v2+s31+$0x0 ss:$0x1], $0xffff;
	v20 =	vor.u32 v39, v14  }
0xec: {  	s1 =	sor.u32 $0x410, s19;
	v12 =	vld.idx.msk [tilespmem:v1+s0+$0x0 ss:$0x1], $0xffff;
	[tilespmem:v3+s24+$0x0 ss:$0x1] =	vst.idx.msk $0xffff, v20  }
0xed: {  	v20 =	vld.idx.msk [tilespmem:v1+s1+$0x0 ss:$0x1], $0xffff  }
0xee: {  	s28 =	sor.u32 $0x490, s19;
	v40 =	vld.idx.msk [tilespmem:v2+s1+$0x0 ss:$0x1], $0xffff  }
0xef: {  	v22 =	vld.idx.msk [tilespmem:v1+s28+$0x0 ss:$0x1], $0xffff  }
0xf0: {  	s29 =	sor.u32 $0x510, s19;
	v23 =	vld.idx.msk [tilespmem:v2+s28+$0x0 ss:$0x1], $0xffff  }
0xf1: {  	s30 =	sor.u32 $0x590, s19;
	v24 =	vld.idx.msk [tilespmem:v2+s29+$0x0 ss:$0x1], $0xffff  }
0xf2: {  	v26 =	vld.idx.msk [tilespmem:v2+s30+$0x0 ss:$0x1], $0xffff  }
0xf3: {  	v25 =	vld.idx.msk [tilespmem:v1+s29+$0x0 ss:$0x1], $0xffff  }
0xf4: {  	v14 =	vld.idx.msk [tilespmem:v2+s0+$0x0 ss:$0x1], $0xffff  }
0xf5: {  	s31 =	sor.u32 $0x600, s19;
	v27 =	vld.idx.msk [tilespmem:v1+s30+$0x0 ss:$0x1], $0xffff  }
0xf6: {  	s0 =	sand.u32 $0x3FFFFE00, s31;
	v43 =	vld.idx.msk [tilespmem:v2+s31+$0x0 ss:$0x1], $0xffff;
	v21 =	vshll.u32 v40, $0x3;
	v23 =	vshll.u32 v23, $0x3  }
0xf7: {  	v28 =	vld.idx.msk [tilespmem:v1+s0+$0x0 ss:$0x1], $0xffff;
	s29 =	sor.u32 $0x680, s19;
	v42 =	vshll.u32 v24, $0x3;
	v45 =	vshll.u32 v26, $0x3;
	v41 =	vshrl.u32 v22, v23  }
0xf8: {  	v44 =	vld.idx.msk [tilespmem:v1+s29+$0x0 ss:$0x1], $0xffff;
	v20 =	vshrl.u32 v20, v21;
	v22 =	vshrl.u32 v25, v42;
	v21 =	vshll.u32 v41, $0x8  }
0xf9: {  	s28 =	sor.u32 $0x700, s19;
	v46 =	vld.idx.msk [tilespmem:v2+s29+$0x0 ss:$0x1], $0xffff;
	v20 =	vand.u32 $0xFF, v20;
	v22 =	vshll.u32 v22, $0x10;
	v21 =	vand.u32 $0xFF00, v21  }
0xfa: {  	v49 =	vld.idx.msk [tilespmem:v2+s28+$0x0 ss:$0x1], $0xffff;
	v48 =	vshrl.u32 v27, v45;
	v47 =	vand.u32 $0xFF0000, v22;
	v20 =	vor.u32 v20, v21  }
0xfb: {  	s24 =	sor.u32 $0x780, s19;
	s30 =	sor.u32 $0x440, s19;
	v51 =	vld.idx.msk [tilespmem:v1+s28+$0x0 ss:$0x1], $0xffff;
	v50 =	vshll.u32 v48, $0x18;
	v20 =	vor.u32 v47, v20  }
0xfc: {  	v52 =	vld.idx.msk [tilespmem:v2+s24+$0x0 ss:$0x1], $0xffff;
	s0 =	sshrl.u32 s30, $0x2;
	v20 =	vor.u32 v50, v20  }
0xfd: {  	s1 =	sor.u32 $0x420, s19;
	v53 =	vld.idx.msk [tilespmem:v1+s24+$0x0 ss:$0x1], $0xffff;
	[tilespmem:v3+s0+$0x0 ss:$0x1] =	vst.idx.msk $0xffff, v20  }
0xfe: {  	v23 =	vshll.u32 v43, $0x3;
	v26 =	vshll.u32 v46, $0x3;
	v54 =	vld.idx.msk [tilespmem:v1+s1+$0x0 ss:$0x1], $0xffff  }
0xff: {  	v25 =	vshll.u32 v49, $0x3;
	v23 =	vshrl.u32 v28, v23;
	v24 =	vshrl.u32 v44, v26;
	v55 =	vld.idx.msk [tilespmem:v2+s1+$0x0 ss:$0x1], $0xffff;
	s1 =	sor.u32 $0x4A0, s19  }
0x100: {  	v23 =	vand.u32 $0xFF, v23;
	v24 =	vshll.u32 v24, $0x8;
	v22 =	vshrl.u32 v51, v25;
	v56 =	vld.idx.msk [tilespmem:v1+s1+$0x0 ss:$0x1], $0xffff  }
0x101: {  	v24 =	vand.u32 $0xFF00, v24;
	v22 =	vshll.u32 v22, $0x10;
	v21 =	vshll.u32 v52, $0x3;
	v57 =	vld.idx.msk [tilespmem:v2+s1+$0x0 ss:$0x1], $0xffff;
	s1 =	sor.u32 $0x520, s19  }
0x102: {  	v23 =	vor.u32 v23, v24;
	v22 =	vand.u32 $0xFF0000, v22;
	v20 =	vshrl.u32 v53, v21;
	v58 =	vld.idx.msk [tilespmem:v2+s1+$0x0 ss:$0x1], $0xffff  }
0x103: {  	v22 =	vor.u32 v22, v23;
	v20 =	vshll.u32 v20, $0x18;
	v59 =	vld.idx.msk [tilespmem:v1+s1+$0x0 ss:$0x1], $0xffff;
	s1 =	sor.u32 $0x5A0, s19  }
0x104: {  	s31 =	sshrl.u32 s31, $0x2;
	v20 =	vor.u32 v20, v22;
	v60 =	vld.idx.msk [tilespmem:v2+s1+$0x0 ss:$0x1], $0xffff  }
0x105: {  	[tilespmem:v3+s31+$0x0 ss:$0x1] =	vst.idx.msk $0xffff, v20;
	s31 =	sor.u32 $0x690, s19;
	v61 =	vld.idx.msk [tilespmem:v1+s1+$0x0 ss:$0x1], $0xffff  }
0x106: {  	v32 =	vld.idx.msk [tilespmem:v1+s31+$0x0 ss:$0x1], $0xffff;
	v62 =	vshll.u32 v55, $0x3;
	v25 =	vshll.u32 v57, $0x3  }
0x107: {  	s1 =	sor.u32 $0x610, s19;
	v33 =	vld.idx.msk [tilespmem:v2+s31+$0x0 ss:$0x1], $0xffff;
	v20 =	vshrl.u32 v54, v62;
	v25 =	vshrl.u32 v56, v25;
	v24 =	vshll.u32 v58, $0x3  }
0x108: {  	v63 =	vld.idx.msk [tilespmem:v1+s1+$0x0 ss:$0x1], $0xffff;
	v20 =	vand.u32 $0xFF, v20;
	v25 =	vshll.u32 v25, $0x8;
	v21 =	vshrl.u32 v59, v24  }
0x109: {  	s31 =	sor.u32 $0x790, s19;
	v31 =	vld.idx.msk [tilespmem:v2+s1+$0x0 ss:$0x1], $0xffff;
	v23 =	vshll.u32 v60, $0x3;
	v25 =	vand.u32 $0xFF00, v25;
	v21 =	vshll.u32 v21, $0x10  }
0x10a: {  	s1 =	sor.u32 $0x710, s19;
	v37 =	vld.idx.msk [tilespmem:v2+s31+$0x0 ss:$0x1], $0xffff;
	v22 =	vshrl.u32 v61, v23;
	v20 =	vor.u32 v20, v25;
	v21 =	vand.u32 $0xFF0000, v21  }
0x10b: {  	v34 =	vld.idx.msk [tilespmem:v2+s1+$0x0 ss:$0x1], $0xffff;
	v35 =	vshll.u32 v22, $0x18;
	v20 =	vor.u32 v21, v20  }
0x10c: {  	s25 =	sshrl.u32 s25, $0x2;
	v36 =	vld.idx.msk [tilespmem:v1+s1+$0x0 ss:$0x1], $0xffff;
	v20 =	vor.u32 v35, v20  }
0x10d: {  	v38 =	vld.idx.msk [tilespmem:v1+s31+$0x0 ss:$0x1], $0xffff;
	s1 =	sor.u32 $0x430, s19;
	[tilespmem:v3+s25+$0x0 ss:$0x1] =	vst.idx.msk $0xffff, v20  }
0x10e: {  	v39 =	vld.idx.msk [tilespmem:v1+s1+$0x0 ss:$0x1], $0xffff  }
0x10f: {  	s31 =	sor.u32 $0x4B0, s19;
	v27 =	vshll.u32 v33, $0x3;
	v26 =	vshll.u32 v31, $0x3;
	v40 =	vld.idx.msk [tilespmem:v2+s1+$0x0 ss:$0x1], $0xffff  }
0x110: {  	v24 =	vshrl.u32 v32, v27;
	v26 =	vshrl.u32 v63, v26;
	v23 =	vshll.u32 v34, $0x3;
	v41 =	vld.idx.msk [tilespmem:v1+s31+$0x0 ss:$0x1], $0xffff  }
0x111: {  	v24 =	vshll.u32 v24, $0x8;
	v26 =	vand.u32 $0xFF, v26;
	v22 =	vshrl.u32 v36, v23;
	s25 =	sor.u32 $0x5B0, s19;
	v42 =	vld.idx.msk [tilespmem:v2+s31+$0x0 ss:$0x1], $0xffff  }
0x112: {  	v24 =	vand.u32 $0xFF00, v24;
	v21 =	vshll.u32 v37, $0x3;
	v22 =	vshll.u32 v22, $0x10;
	s1 =	sor.u32 $0x530, s19;
	v45 =	vld.idx.msk [tilespmem:v2+s25+$0x0 ss:$0x1], $0xffff  }
0x113: {  	v24 =	vor.u32 v26, v24;
	v22 =	vand.u32 $0xFF0000, v22;
	v20 =	vshrl.u32 v38, v21;
	v43 =	vld.idx.msk [tilespmem:v2+s1+$0x0 ss:$0x1], $0xffff  }
0x114: {  	v22 =	vor.u32 v22, v24;
	v20 =	vshll.u32 v20, $0x18;
	s31 =	sor.u32 $0x640, s19;
	v44 =	vld.idx.msk [tilespmem:v1+s1+$0x0 ss:$0x1], $0xffff  }
0x115: {  	v20 =	vor.u32 v20, v22;
	s1 =	sshrl.u32 s31, $0x2  }
0x116: {  	v46 =	vld.idx.msk [tilespmem:v1+s25+$0x0 ss:$0x1], $0xffff;
	[tilespmem:v3+s1+$0x0 ss:$0x1] =	vst.idx.msk $0xffff, v20;
	s1 =	sor.u32 $0x620, s19  }
0x117: {  	v48 =	vld.idx.msk [tilespmem:v1+s1+$0x0 ss:$0x1], $0xffff;
	v47 =	vshll.u32 v40, $0x3;
	v23 =	vshll.u32 v42, $0x3  }
0x118: {  	s25 =	sor.u32 $0x6A0, s19;
	v50 =	vld.idx.msk [tilespmem:v2+s1+$0x0 ss:$0x1], $0xffff;
	v24 =	vshll.u32 v45, $0x3;
	v23 =	vshrl.u32 v41, v23;
	v49 =	vshll.u32 v43, $0x3  }
0x119: {  	v51 =	vld.idx.msk [tilespmem:v1+s25+$0x0 ss:$0x1], $0xffff;
	v20 =	vshrl.u32 v39, v47;
	v23 =	vshll.u32 v23, $0x8;
	v21 =	vshrl.u32 v44, v49  }
0x11a: {  	v52 =	vld.idx.msk [tilespmem:v2+s25+$0x0 ss:$0x1], $0xffff;
	s1 =	sor.u32 $0x720, s19;
	v20 =	vand.u32 $0xFF, v20;
	v23 =	vand.u32 $0xFF00, v23;
	v21 =	vshll.u32 v21, $0x10  }
0x11b: {  	v53 =	vld.idx.msk [tilespmem:v2+s1+$0x0 ss:$0x1], $0xffff;
	v22 =	vshrl.u32 v46, v24;
	v20 =	vor.u32 v20, v23;
	v21 =	vand.u32 $0xFF0000, v21  }
0x11c: {  	s0 =	sor.u32 $0x7A0, s19;
	s25 =	sor.u32 $0x4C0, s19;
	v55 =	vld.idx.msk [tilespmem:v1+s1+$0x0 ss:$0x1], $0xffff;
	v54 =	vshll.u32 v22, $0x18;
	v20 =	vor.u32 v21, v20  }
0x11d: {  	v57 =	vld.idx.msk [tilespmem:v2+s0+$0x0 ss:$0x1], $0xffff;
	s1 =	sshrl.u32 s25, $0x2;
	v56 =	vor.u32 v54, v20  }
0x11e: {  	v19 =	vshll.u32 v19, $0x3;
	v58 =	vld.idx.msk [tilespmem:v1+s0+$0x0 ss:$0x1], $0xffff;
	[tilespmem:v3+s1+$0x0 ss:$0x1] =	vst.idx.msk $0xffff, v56  }
0x11f: {  	v16 =	vshrl.u32 v16, v19;
	v60 =	vshll.u32 v50, $0x3;
	v61 =	vshll.u32 v52, $0x3;
	v59 =	vld.idx.msk [tilespmem:v1+s30+$0x0 ss:$0x1], $0xffff  }
0x120: {  	v24 =	vshrl.u32 v51, v61;
	v23 =	vshll.u32 v53, $0x3;
	v21 =	vshrl.u32 v48, v60;
	v62 =	vld.idx.msk [tilespmem:v2+s30+$0x0 ss:$0x1], $0xffff  }
0x121: {  	v24 =	vshll.u32 v24, $0x8;
	v22 =	vshrl.u32 v55, v23;
	v21 =	vand.u32 $0xFF, v21;
	v63 =	vld.idx.msk [tilespmem:v1+s25+$0x0 ss:$0x1], $0xffff  }
0x122: {  	v24 =	vand.u32 $0xFF00, v24;
	v22 =	vshll.u32 v22, $0x10;
	v20 =	vshll.u32 v57, $0x3;
	v30 =	vld.idx.msk [tilespmem:v2+s25+$0x0 ss:$0x1], $0xffff;
	s30 =	sor.u32 $0x540, s19  }
0x123: {  	v21 =	vor.u32 v21, v24;
	v22 =	vand.u32 $0xFF0000, v22;
	v19 =	vshrl.u32 v58, v20;
	v31 =	vld.idx.msk [tilespmem:v1+s30+$0x0 ss:$0x1], $0xffff  }
0x124: {  	s25 =	sor.u32 $0x5C0, s19;
	v21 =	vor.u32 v22, v21;
	v19 =	vshll.u32 v19, $0x18;
	v32 =	vld.idx.msk [tilespmem:v2+s30+$0x0 ss:$0x1], $0xffff  }
0x125: {  	s29 =	sshrl.u32 s29, $0x2;
	v18 =	vshll.u32 v18, $0x3;
	v15 =	vshll.u32 v15, $0x3;
	v33 =	vld.idx.msk [tilespmem:v1+s25+$0x0 ss:$0x1], $0xffff;
	v19 =	vor.u32 v19, v21  }
0x126: {  	v17 =	vshrl.u32 v17, v18;
	v13 =	vshrl.u32 v13, v15;
	s1 =	sor.u32 $0x630, s19;
	v34 =	vld.idx.msk [tilespmem:v2+s25+$0x0 ss:$0x1], $0xffff;
	[tilespmem:v3+s29+$0x0 ss:$0x1] =	vst.idx.msk $0xffff, v19  }
0x127: {  	v14 =	vshll.u32 v14, $0x3;
	v16 =	vand.u32 $0xFF, v16;
	v17 =	vshll.u32 v17, $0x8;
	v35 =	vld.idx.msk [tilespmem:v1+s1+$0x0 ss:$0x1], $0xffff  }
0x128: {  	v13 =	vshll.u32 v13, $0x10;
	v12 =	vshrl.u32 v12, v14;
	v17 =	vand.u32 $0xFF00, v17;
	s29 =	sor.u32 $0x6B0, s19;
	v36 =	vld.idx.msk [tilespmem:v2+s1+$0x0 ss:$0x1], $0xffff  }
0x129: {  	v13 =	vand.u32 $0xFF0000, v13;
	v12 =	vshll.u32 v12, $0x18;
	v16 =	vor.u32 v16, v17;
	v19 =	vld.idx.msk [tilespmem:v1+s29+$0x0 ss:$0x1], $0xffff  }
0x12a: {  	v13 =	vor.u32 v13, v16;
	v40 =	vld.idx.msk [tilespmem:v2+s29+$0x0 ss:$0x1], $0xffff;
	s1 =	sor.u32 $0x730, s19;
	v37 =	vshll.u32 v62, $0x3;
	v38 =	vshll.u32 v30, $0x3  }
0x12b: {  	v12 =	vor.u32 v12, v13;
	s0 =	sor.u32 $0x7B0, s19;
	v41 =	vld.idx.msk [tilespmem:v2+s1+$0x0 ss:$0x1], $0xffff;
	v13 =	vshrl.u32 v59, v37;
	v16 =	vshrl.u32 v63, v38  }
0x12c: {  	v44 =	vld.idx.msk [tilespmem:v2+s0+$0x0 ss:$0x1], $0xffff;
	v39 =	vshll.u32 v32, $0x3;
	v21 =	vshll.u32 v34, $0x3;
	v13 =	vand.u32 $0xFF, v13  }
0x12d: {  	v42 =	vld.idx.msk [tilespmem:v1+s1+$0x0 ss:$0x1], $0xffff;
	v16 =	vshll.u32 v16, $0x8;
	v18 =	vshrl.u32 v31, v39;
	v15 =	vshrl.u32 v33, v21  }
0x12e: {  	v47 =	vld.idx.msk [tilespmem:v1+s0+$0x0 ss:$0x1], $0xffff;
	v16 =	vand.u32 $0xFF00, v16;
	v18 =	vshll.u32 v18, $0x10;
	v46 =	vshll.u32 v15, $0x18  }
0x12f: {  	s22 =	sshrl.u32 s22, $0x2;
	v49 =	vshll.u32 v36, $0x3;
	v50 =	vshll.u32 v40, $0x3;
	v13 =	vor.u32 v13, v16  }
0x130: {  	[tilespmem:v3+s22+$0x0 ss:$0x1] =	vst.idx.msk $0xffff, v12;
	s29 =	sor.u32 $0x270, s19;
	v43 =	vand.u32 $0xFF0000, v18;
	v14 =	vshrl.u32 v35, v49;
	v51 =	vshll.u32 v41, $0x3  }
0x131: {  	v17 =	vld.idx.msk [tilespmem:v2+s29+$0x0 ss:$0x1], $0xffff;
	s1 =	sor.u32 $0x2F0, s19;
	v18 =	vshll.u32 v44, $0x3;
	v45 =	vor.u32 v43, v13;
	v13 =	vshrl.u32 v19, v50  }
0x132: {  	s22 =	sor.u32 $0x370, s19;
	v12 =	vld.idx.msk [tilespmem:v1+s1+$0x0 ss:$0x1], $0xffff;
	v52 =	vand.u32 $0xFF, v14;
	v19 =	vshrl.u32 v42, v51;
	v13 =	vshll.u32 v13, $0x8  }
0x133: {  	v15 =	vld.idx.msk [tilespmem:v2+s22+$0x0 ss:$0x1], $0xffff;
	v18 =	vshrl.u32 v47, v18;
	v19 =	vshll.u32 v19, $0x10;
	v53 =	vand.u32 $0xFF00, v13  }
0x134: {  	v16 =	vld.idx.msk [tilespmem:v1+s29+$0x0 ss:$0x1], $0xffff;
	s29 =	sshrl.u32 s26, $0x2;
	v48 =	vor.u32 v46, v45;
	v19 =	vand.u32 $0xFF0000, v19;
	v20 =	vor.u32 v52, v53  }
0x135: {  	v18 =	vshll.u32 v18, $0x18;
	v13 =	vld.idx.msk [tilespmem:v1+s22+$0x0 ss:$0x1], $0xffff;
	[tilespmem:v3+s29+$0x0 ss:$0x1] =	vst.idx.msk $0xffff, v48;
	s22 =	sor.u32 $0x450, s19;
	s29 =	sor.u32 $0x6C0, s19;
	v19 =	vor.u32 v19, v20  }
0x136: {  	v54 =	vld.idx.msk [tilespmem:v1+s22+$0x0 ss:$0x1], $0xffff;
	s26 =	sshrl.u32 s29, $0x2;
	v18 =	vor.u32 v18, v19  }
0x137: {  	v21 =	vld.idx.msk [tilespmem:v2+s22+$0x0 ss:$0x1], $0xffff;
	[tilespmem:v3+s26+$0x0 ss:$0x1] =	vst.idx.msk $0xffff, v18  }
0x138: {  	v18 =	vld.idx.msk [tilespmem:v1+s31+$0x0 ss:$0x1], $0xffff  }
0x139: {  	v55 =	vld.idx.msk [tilespmem:v2+s31+$0x0 ss:$0x1], $0xffff  }
0x13a: {  	v56 =	vld.idx.msk [tilespmem:v1+s29+$0x0 ss:$0x1], $0xffff  }
0x13b: {  	s26 =	sor.u32 $0x740, s19;
	v57 =	vld.idx.msk [tilespmem:v2+s29+$0x0 ss:$0x1], $0xffff  }
0x13c: {  	s22 =	sor.u32 $0x7C0, s19;
	v58 =	vld.idx.msk [tilespmem:v2+s26+$0x0 ss:$0x1], $0xffff  }
0x13d: {  	v60 =	vld.idx.msk [tilespmem:v2+s22+$0x0 ss:$0x1], $0xffff  }
0x13e: {  	v59 =	vld.idx.msk [tilespmem:v1+s26+$0x0 ss:$0x1], $0xffff  }
0x13f: {  	v14 =	vld.idx.msk [tilespmem:v2+s1+$0x0 ss:$0x1], $0xffff  }
0x140: {  	s1 =	sor.u32 $0x5D0, s19;
	v61 =	vld.idx.msk [tilespmem:v1+s22+$0x0 ss:$0x1], $0xffff  }
0x141: {  	v35 =	vld.idx.msk [tilespmem:v1+s1+$0x0 ss:$0x1], $0xffff;
	v19 =	vshll.u32 v55, $0x3;
	v23 =	vshll.u32 v57, $0x3  }
0x142: {  	v36 =	vld.idx.msk [tilespmem:v2+s1+$0x0 ss:$0x1], $0xffff;
	s29 =	sor.u32 $0x4D0, s19;
	v30 =	vshll.u32 v58, $0x3;
	v33 =	vshll.u32 v60, $0x3;
	v63 =	vshrl.u32 v56, v23  }
0x143: {  	v62 =	vld.idx.msk [tilespmem:v1+s29+$0x0 ss:$0x1], $0xffff;
	v18 =	vshrl.u32 v18, v19;
	v22 =	vshrl.u32 v59, v30;
	v19 =	vshll.u32 v63, $0x8  }
0x144: {  	s31 =	sor.u32 $0x550, s19;
	v29 =	vld.idx.msk [tilespmem:v2+s29+$0x0 ss:$0x1], $0xffff;
	v18 =	vand.u32 $0xFF, v18;
	v22 =	vshll.u32 v22, $0x10;
	v19 =	vand.u32 $0xFF00, v19  }
0x145: {  	v31 =	vld.idx.msk [tilespmem:v1+s31+$0x0 ss:$0x1], $0xffff;
	v34 =	vshrl.u32 v61, v33;
	v22 =	vand.u32 $0xFF0000, v22;
	v18 =	vor.u32 v18, v19  }
0x146: {  	v32 =	vld.idx.msk [tilespmem:v2+s31+$0x0 ss:$0x1], $0xffff;
	s29 =	sor.u32 $0x3F0, s19;
	v19 =	vshll.u32 v34, $0x18;
	v18 =	vor.u32 v22, v18  }
0x147: {  	s31 =	sshrl.u32 s28, $0x2;
	v19 =	vor.u32 v19, v18;
	v18 =	vld.idx.msk [tilespmem:v1+s29+$0x0 ss:$0x1], $0xffff  }
0x148: {  	s1 =	sor.u32 $0x650, s19;
	[tilespmem:v3+s31+$0x0 ss:$0x1] =	vst.idx.msk $0xffff, v19;
	v19 =	vld.idx.msk [tilespmem:v2+s29+$0x0 ss:$0x1], $0xffff  }
0x149: {  	v39 =	vld.idx.msk [tilespmem:v1+s1+$0x0 ss:$0x1], $0xffff  }
0x14a: {  	v21 =	vshll.u32 v21, $0x3;
	s28 =	sor.u32 $0x6D0, s19;
	v37 =	vshll.u32 v29, $0x3;
	v40 =	vld.idx.msk [tilespmem:v2+s1+$0x0 ss:$0x1], $0xffff  }
0x14b: {  	v20 =	vshrl.u32 v54, v21;
	v24 =	vshll.u32 v32, $0x3;
	v38 =	vshrl.u32 v62, v37;
	v41 =	vld.idx.msk [tilespmem:v2+s28+$0x0 ss:$0x1], $0xffff  }
0x14c: {  	v20 =	vand.u32 $0xFF, v20;
	v23 =	vshrl.u32 v31, v24;
	v21 =	vshll.u32 v38, $0x8;
	s29 =	sor.u32 $0x750, s19;
	v43 =	vld.idx.msk [tilespmem:v1+s28+$0x0 ss:$0x1], $0xffff  }
0x14d: {  	v23 =	vshll.u32 v23, $0x10;
	v21 =	vand.u32 $0xFF00, v21;
	v22 =	vshll.u32 v36, $0x3;
	s31 =	sor.u32 $0x7D0, s19;
	v45 =	vld.idx.msk [tilespmem:v2+s29+$0x0 ss:$0x1], $0xffff  }
0x14e: {  	v42 =	vand.u32 $0xFF0000, v23;
	v20 =	vor.u32 v20, v21;
	v22 =	vshrl.u32 v35, v22;
	v47 =	vld.idx.msk [tilespmem:v2+s31+$0x0 ss:$0x1], $0xffff  }
0x14f: {  	v20 =	vor.u32 v42, v20;
	v44 =	vshll.u32 v22, $0x18;
	v46 =	vld.idx.msk [tilespmem:v1+s29+$0x0 ss:$0x1], $0xffff  }
0x150: {  	v9 =	vshll.u32 v9, $0x3;
	s30 =	sshrl.u32 s30, $0x2;
	v20 =	vor.u32 v44, v20  }
0x151: {  	v11 =	vshll.u32 v11, $0x3;
	v8 =	vshrl.u32 v8, v9;
	v49 =	vld.idx.msk [tilespmem:v1+s31+$0x0 ss:$0x1], $0xffff;
	s1 =	sor.u32 $0x460, s19;
	[tilespmem:v3+s30+$0x0 ss:$0x1] =	vst.idx.msk $0xffff, v20  }
0x152: {  	v48 =	vshrl.u32 v10, v11;
	v51 =	vld.idx.msk [tilespmem:v1+s1+$0x0 ss:$0x1], $0xffff;
	v50 =	vshll.u32 v41, $0x3;
	v24 =	vshll.u32 v40, $0x3  }
0x153: {  	s28 =	sor.u32 $0x4E0, s19;
	v52 =	vld.idx.msk [tilespmem:v2+s1+$0x0 ss:$0x1], $0xffff;
	v22 =	vshll.u32 v45, $0x3;
	v20 =	vshll.u32 v47, $0x3;
	v11 =	vshrl.u32 v43, v50  }
0x154: {  	v53 =	vld.idx.msk [tilespmem:v2+s28+$0x0 ss:$0x1], $0xffff;
	v24 =	vshrl.u32 v39, v24;
	v21 =	vshrl.u32 v46, v22;
	v11 =	vshll.u32 v11, $0x8  }
0x155: {  	s29 =	sor.u32 $0x560, s19;
	v54 =	vld.idx.msk [tilespmem:v1+s28+$0x0 ss:$0x1], $0xffff;
	v24 =	vand.u32 $0xFF, v24;
	v21 =	vshll.u32 v21, $0x10;
	v11 =	vand.u32 $0xFF00, v11  }
0x156: {  	v55 =	vld.idx.msk [tilespmem:v2+s29+$0x0 ss:$0x1], $0xffff;
	v10 =	vshrl.u32 v49, v20;
	v21 =	vand.u32 $0xFF0000, v21;
	v11 =	vor.u32 v24, v11  }
0x157: {  	v6 =	vshll.u32 v6, $0x3;
	s30 =	sor.u32 $0x5E0, s19;
	v56 =	vld.idx.msk [tilespmem:v1+s29+$0x0 ss:$0x1], $0xffff;
	v10 =	vshll.u32 v10, $0x18;
	v11 =	vor.u32 v21, v11  }
0x158: {  	v4 =	vshrl.u32 v4, v6;
	v9 =	vshll.u32 v48, $0x8;
	s31 =	sshrl.u32 s26, $0x2;
	v58 =	vld.idx.msk [tilespmem:v2+s30+$0x0 ss:$0x1], $0xffff;
	v57 =	vor.u32 v10, v11  }
0x159: {  	v8 =	vand.u32 $0xFF, v8;
	v4 =	vshll.u32 v4, $0x10;
	v9 =	vand.u32 $0xFF00, v9;
	s26 =	sor.u32 $0x660, s19;
	v61 =	vld.idx.msk [tilespmem:v1+s30+$0x0 ss:$0x1], $0xffff;
	[tilespmem:v3+s31+$0x0 ss:$0x1] =	vst.idx.msk $0xffff, v57  }
0x15a: {  	v4 =	vand.u32 $0xFF0000, v4;
	v8 =	vor.u32 v8, v9;
	v63 =	vld.idx.msk [tilespmem:v1+s26+$0x0 ss:$0x1], $0xffff  }
0x15b: {  	v59 =	vshll.u32 v7, $0x3;
	s28 =	sor.u32 $0x6E0, s19;
	v60 =	vshll.u32 v53, $0x3;
	v62 =	vshll.u32 v52, $0x3;
	v24 =	vld.idx.msk [tilespmem:v2+s26+$0x0 ss:$0x1], $0xffff  }
0x15c: {  	v20 =	vshll.u32 v55, $0x3;
	v7 =	vshrl.u32 v54, v60;
	v6 =	vshrl.u32 v51, v62;
	v25 =	vld.idx.msk [tilespmem:v1+s28+$0x0 ss:$0x1], $0xffff  }
0x15d: {  	s29 =	sor.u32 $0x760, s19;
	v20 =	vshrl.u32 v56, v20;
	v7 =	vshll.u32 v7, $0x8;
	v6 =	vand.u32 $0xFF, v6;
	v27 =	vld.idx.msk [tilespmem:v2+s28+$0x0 ss:$0x1], $0xffff  }
0x15e: {  	s30 =	sor.u32 $0x7E0, s19;
	v26 =	vshll.u32 v20, $0x10;
	v7 =	vand.u32 $0xFF00, v7;
	v10 =	vshll.u32 v58, $0x3;
	v28 =	vld.idx.msk [tilespmem:v2+s29+$0x0 ss:$0x1], $0xffff  }
0x15f: {  	v6 =	vor.u32 v6, v7;
	v7 =	vand.u32 $0xFF0000, v26;
	v9 =	vshrl.u32 v61, v10;
	v31 =	vld.idx.msk [tilespmem:v2+s30+$0x0 ss:$0x1], $0xffff  }
0x160: {  	v5 =	vshrl.u32 v5, v59;
	v6 =	vor.u32 v7, v6;
	v29 =	vshll.u32 v9, $0x18;
	v30 =	vld.idx.msk [tilespmem:v1+s29+$0x0 ss:$0x1], $0xffff  }
0x161: {  	v4 =	vor.u32 v4, v8;
	v5 =	vshll.u32 v5, $0x18;
	s31 =	sshrl.u32 s23, $0x2;
	v6 =	vor.u32 v29, v6  }
0x162: {  	v4 =	vor.u32 v5, v4;
	s23 =	sor.u32 $0x470, s19;
	v32 =	vld.idx.msk [tilespmem:v1+s30+$0x0 ss:$0x1], $0xffff;
	[tilespmem:v3+s31+$0x0 ss:$0x1] =	vst.idx.msk $0xffff, v6  }
0x163: {  	v5 =	vshll.u32 v17, $0x3;
	v33 =	vld.idx.msk [tilespmem:v1+s23+$0x0 ss:$0x1], $0xffff;
	v34 =	vshll.u32 v24, $0x3;
	v35 =	vshll.u32 v27, $0x3  }
0x164: {  	s26 =	sor.u32 $0x4F0, s19;
	v36 =	vld.idx.msk [tilespmem:v2+s23+$0x0 ss:$0x1], $0xffff;
	v10 =	vshll.u32 v28, $0x3;
	v7 =	vshll.u32 v31, $0x3;
	v17 =	vshrl.u32 v25, v35  }
0x165: {  	v37 =	vld.idx.msk [tilespmem:v1+s26+$0x0 ss:$0x1], $0xffff;
	v11 =	vshrl.u32 v63, v34;
	v9 =	vshrl.u32 v30, v10;
	v17 =	vshll.u32 v17, $0x8  }
0x166: {  	s28 =	sor.u32 $0x570, s19;
	v38 =	vld.idx.msk [tilespmem:v2+s26+$0x0 ss:$0x1], $0xffff;
	v11 =	vand.u32 $0xFF, v11;
	v9 =	vshll.u32 v9, $0x10;
	v17 =	vand.u32 $0xFF00, v17  }
0x167: {  	v39 =	vld.idx.msk [tilespmem:v1+s28+$0x0 ss:$0x1], $0xffff;
	v6 =	vshrl.u32 v32, v7;
	v9 =	vand.u32 $0xFF0000, v9;
	v11 =	vor.u32 v11, v17  }
0x168: {  	v14 =	vshll.u32 v14, $0x3;
	s29 =	sor.u32 $0x5F0, s19;
	v40 =	vld.idx.msk [tilespmem:v2+s28+$0x0 ss:$0x1], $0xffff;
	v6 =	vshll.u32 v6, $0x18;
	v9 =	vor.u32 v9, v11  }
0x169: {  	v12 =	vshrl.u32 v12, v14;
	s30 =	sshrl.u32 s24, $0x2;
	v42 =	vld.idx.msk [tilespmem:v1+s29+$0x0 ss:$0x1], $0xffff;
	v6 =	vor.u32 v6, v9  }
0x16a: {  	v5 =	vshrl.u32 v16, v5;
	v41 =	vshll.u32 v15, $0x3;
	s31 =	sor.u32 $0x670, s19;
	v43 =	vld.idx.msk [tilespmem:v2+s29+$0x0 ss:$0x1], $0xffff;
	[tilespmem:v3+s30+$0x0 ss:$0x1] =	vst.idx.msk $0xffff, v6  }
0x16b: {  	v12 =	vshll.u32 v12, $0x8;
	v5 =	vand.u32 $0xFF, v5;
	v13 =	vshrl.u32 v13, v41;
	v47 =	vld.idx.msk [tilespmem:v1+s31+$0x0 ss:$0x1], $0xffff  }
0x16c: {  	v44 =	vand.u32 $0xFF00, v12;
	s1 =	sor.u32 $0x6F0, s19;
	v46 =	vshll.u32 v19, $0x3;
	v45 =	vshll.u32 v13, $0x10;
	v50 =	vld.idx.msk [tilespmem:v2+s31+$0x0 ss:$0x1], $0xffff  }
0x16d: {  	v5 =	vor.u32 v5, v44;
	v49 =	vshrl.u32 v18, v46;
	v48 =	vand.u32 $0xFF0000, v45;
	v52 =	vld.idx.msk [tilespmem:v2+s1+$0x0 ss:$0x1], $0xffff  }
0x16e: {  	v51 =	vshll.u32 v49, $0x18;
	v5 =	vor.u32 v48, v5;
	s23 =	sor.u32 $0x770, s19;
	v10 =	vshll.u32 v38, $0x3;
	v53 =	vld.idx.msk [tilespmem:v1+s1+$0x0 ss:$0x1], $0xffff  }
0x16f: {  	s24 =	sor.u32 $0x7F0, s19;
	v16 =	vshll.u32 v36, $0x3;
	v10 =	vshrl.u32 v37, v10;
	v11 =	vshll.u32 v40, $0x3;
	v54 =	vld.idx.msk [tilespmem:v2+s23+$0x0 ss:$0x1], $0xffff  }
0x170: {  	v8 =	vshrl.u32 v33, v16;
	v10 =	vshll.u32 v10, $0x8;
	v7 =	vshrl.u32 v39, v11;
	v57 =	vld.idx.msk [tilespmem:v2+s24+$0x0 ss:$0x1], $0xffff  }
0x171: {  	v8 =	vand.u32 $0xFF, v8;
	v10 =	vand.u32 $0xFF00, v10;
	v7 =	vshll.u32 v7, $0x10;
	v55 =	vld.idx.msk [tilespmem:v1+s23+$0x0 ss:$0x1], $0xffff  }
0x172: {  	v58 =	vshll.u32 v43, $0x3;
	v56 =	vor.u32 v8, v10;
	v7 =	vand.u32 $0xFF0000, v7  }
0x173: {  	v5 =	vor.u32 v51, v5;
	v60 =	vld.idx.msk [tilespmem:v1+s24+$0x0 ss:$0x1], $0xffff;
	v6 =	vor.u32 v7, v56;
	v7 =	vshrl.u32 v42, v58  }
0x174: {  	v7 =	vshll.u32 v7, $0x18;
	v59 =	vshll.u32 v52, $0x3;
	v61 =	vshll.u32 v50, $0x3  }
0x175: {  	v11 =	vshll.u32 v54, $0x3;
	v8 =	vshll.u32 v57, $0x3;
	v9 =	vshrl.u32 v53, v59  }
0x176: {  	p0 =	slt.u32 s18, $0x1C;
	v12 =	vshrl.u32 v47, v61;
	v11 =	vshrl.u32 v55, v11;
	v9 =	vshll.u32 v9, $0x8  }
.Ltmp6:
0x177: {  	s26 =	sshra.s32 s20, $0x2;
	v12 =	vand.u32 $0xFF, v12;
	v11 =	vshll.u32 v11, $0x10;
	v9 =	vand.u32 $0xFF00, v9;
	(pc) =	sbr.rel @p0 .LBB2_8-.Ltmp6, $4  }
0x178: {  	s28 =	sshrl.u32 s21, $0x2;
	[tilespmem:v3+s26+$0x0 ss:$0x1] =	vst.idx.msk $0xffff, v4;
	v4 =	vshrl.u32 v60, v8;
	v62 =	vand.u32 $0xFF0000, v11;
	v9 =	vor.u32 v12, v9  }
0x179: {  	s29 =	sshrl.u32 s25, $0x2;
	[tilespmem:v3+s28+$0x0 ss:$0x1] =	vst.idx.msk $0xffff, v5;
	v5 =	vor.u32 v7, v6;
	v4 =	vshll.u32 v4, $0x18;
	v63 =	vor.u32 v62, v9  }
0x17a: {  	s30 =	sshrl.u32 s22, $0x2;
	s31 =	sadd.s32 $0x4, s18;
	[tilespmem:v3+s29+$0x0 ss:$0x1] =	vst.idx.msk $0xffff, v5;
	v4 =	vor.u32 v4, v63  }
0x17b: {  	s18 =	smov.u32 s31;
	[tilespmem:v3+s30+$0x0 ss:$0x1] =	vst.idx.msk $0xffff, v4  }
.Ltmp7:
0x17c: {  	(pc) =	sbr.rel .LBB2_10-.Ltmp7, $4  }
0x17d: {  	_ = 	snop  }
0x17e: {  	s0 =	sshrl.u32 s16, $0x2;
	s1 =	sshrl.u32 s16, $0x5  }
0x17f: {  	s1 =	sadd.s32 s1, s8;
	s0 =	sand.u32 $0x7, s0  }
0x180: {  	[hbm4b:s1+s0] =	stream.linear.scatter [tilespmem:s17], [sflag:$0x4], $0x1000, $0x38;
	[tilespmem:$0x16000] =	vst v63  }
.LBB2_11:
0x181: {  	_ =	sfence.sel $0x180000  }
0x182: {  	s0 =	simm.s32 $0x2;
	[bflag:$0x0] =	sbarrier.arrive $0xFFFF  }
0x183: {  	s28 =	simm.s32 $0x3;
	[sflag:s0] =	ssyncpa.u1 $0x1  }
0x184: {  	s29 =	simm.s32 $0x4;
	[sflag:s28] =	ssyncpa.u1 $0x1  }
0x185: {  	s30 =	simm.s32 $0x1;
	[sflag:s29] =	ssyncpa.u1 $0x1  }
0x186: {  	[sflag:s30] =	ssyncpa.u1 $0x1  }
0x187: {  	_ =	strace $0x90000050  }
0x188: {  	s31 =	stileid.u32;
	[bflag:$0x2] =	sbarrier.arrive $0xFFFF  }
0x189: {  	p0 =	sne.s32 s31, $0x0;
	s0 =	rddreg [dreg:$0x1]  }
0x18a: {  	s0 =	sadd.s32 @!p0 $0x100000, s0  }
0x18b: {  	[sflag:s0] =	ssyncadd.tile.s32 @!p0 $0x1;
	_ =	shalt  }
.Lfunc_end2:
_tile_overlayer_lowered:
.L_overlay_start_2:
0x18c: {  	(tag) =	ssettag $0x2  }
0x18d: {  	s0 =	rddreg [dreg:$0x0];
	s2 =	stileid.u32  }
0x18e: {  	s1 =	rddreg [dreg:$0x1];
	p0 =	sne.s32 s2, $0x0  }
0x18f: {  	s3 =	rddreg [dreg:$0x2];
	[bflag:$0x3] =	sbarrier.arrive $0xFFFF;
	s2 =	simm.s32 @!p0 $0x1C01  }
0x190: {  	[timem:s3], [sflag:s2] =	dma.local @!p0 [hbm:s0], s1  }
0x191: {  	s0 =	simm.s32 @!p0 $0x1  }
0x192: {  	_ =	swait.ge @!p0 [sflag:s0], s1  }
0x193: {  	s1 =	ssub.s32 @!p0 $0x0, s1;
	[sflag:s0] =	ssyncset.done @!p0 $0x0  }
0x194: {  	[sflag:s0] =	ssyncadd.s32 @!p0 s1  }
0x195: {  	[bflag:$0x3] =	sbarrier.arrive $0xFFFF  }
0x196: {  	_ =	shalt  }

// kernel: gather_offload_async_start
scs
__scs_entry_jumppad:
0x0: {  	(pc) =	sbr.rel $0x88, $3  }
0x1: {  	(tag) =	ssettag $0x0;
	lr =	simm.s32 $0x1  }
0x2: {  	[smem:$0x3F8C] =	sst lr;
	_ =	strace $0xD0000000  }
0x3: {  	_ = 	snop  }
0x4: {  	_ = 	snop  }
0x5: {  	_ = 	snop  }
0x6: {  	_ = 	snop  }
0x7: {  	_ = 	snop  }
__scs_overlays_trampoline_lowered:
0x8: {  	[smem:$0x3F9B] =	sst s0  }
0x9: {  	[smem:$0x3F9C] =	sst s1  }
0xa: {  	[smem:$0x3F9D] =	sst s2  }
0xb: {  	[smem:$0x3F9E] =	sst s3  }
0xc: {  	[smem:$0x3F9F] =	sst s4  }
0xd: {  	[smem:$0x3FA0] =	sst s5  }
0xe: {  	[smem:$0x3FA1] =	sst s6  }
0xf: {  	[smem:$0x3FA2] =	sst s7  }
0x10: {  	[smem:$0x3FA3] =	sst s8  }
0x11: {  	[smem:$0x3FA4] =	sst s9;
	s0 =	simm.s32 @!p0 $0x0  }
0x12: {  	s1 =	sld [smem:$0x3F8A];
	s0 =	simm.s32 @p0 $0x1  }
0x13: {  	[smem:$0x3FA5] =	sst s0;
	s0 =	simm.s32 @!p1 $0x0  }
0x14: {  	s2 =	sld [smem:$0x3F89];
	s0 =	simm.s32 @p1 $0x1  }
0x15: {  	[smem:$0x3FA6] =	sst s0;
	s0 =	simm.s32 @!p2 $0x0  }
0x16: {  	s3 =	sld [smem:$0x3FDB];
	s0 =	simm.s32 @p2 $0x1  }
0x17: {  	s4 =	simm.s32 $0x1BF5;
	[smem:$0x3FA8] =	sst s0  }
0x18: {  	s0 =	sld [smem:$0x3F8B];
	_ =	swait.ge [sflag:s4], $0x0  }
0x19: {  	s7 =	sld [smem:$0x3F8C]  }
0x1a: {  	s8 =	sadd.s32 $0xFFFFE003, lr  }
0x1b: {  	s9 =	sadd.s32 $0xFFFFFEF7, lr;
	s5 =	simm.s32 $0xFFFFFFFF;
	p2 =	slt.u32 s8, $0xFFFFF086  }
0x1c: {  	p1 =	slt.u32 s9, $0xF7A;
	s5 =	simm.s32 @!p2 $0x0  }
0x1d: {  	s5 =	simm.s32 @p1 $0x1;
	p0 =	seq.s32 s7, s2  }
0x1e: {  	s7 =	smul.u32 @!p0 $0xF7A, s2;
	p2 =	seq.s32 @!p0 s5, $0x0  }
0x1f: {  	s9 =	smul.u32 $0xF7A, s1;
	s8 =	simm.s32 @!p0 $0x1BF5;
	p2 =	por !p2, p0  }
0x20: {  	[sflag:s8] =	ssyncset.s32 @!p0 $0xFFFFF086;
	s6 =	sadd.s32 @!p0 s3, s7;
	s7 =	simm.s32 @!p0 $0x108  }
0x21: {  	s3 =	sadd.s32 s3, s9;
	s6 =	sadd.s32 @!p0 $0x88, s6;
	s7 =	simm.s32 @p2 $0x1082  }
0x22: {  	[simem:s7], [sflag:s8] =	dma.local @!p0 [hbm:s6], $0xF7A  }
0x23: {  	s9 =	sor.u32 $0xD0000000, s2;
	s6 =	simm.s32 $0x108;
	_ =	swait.ge @!p0 [sflag:s8], $0x0  }
0x24: {  	s3 =	sadd.s32 $0x88, s3;
	s6 =	simm.s32 @!p1 $0x1082;
	[sflag:s4] =	ssyncset.s32 $0xFFFFF086  }
0x25: {  	[simem:s6], [sflag:s4] =	dma.local [hbm:s3], $0xF7A  }
0x26: {  	[smem:$0x3F8C] =	sst s1;
	(tag) =	ssettag s2;
	_ =	strace s9  }
0x27: {  	s1 =	sld [smem:$0x3F9C]  }
0x28: {  	s2 =	sld [smem:$0x3F9D]  }
0x29: {  	s4 =	sld [smem:$0x3F9F]  }
0x2a: {  	p0 =	seq.s32 s5, $0x0;
	s5 =	sld [smem:$0x3FA0]  }
0x2b: {  	s6 =	sld [smem:$0x3FA1]  }
0x2c: {  	s7 =	sld [smem:$0x3FA2]  }
0x2d: {  	s3 =	simm.s32 $0x108;
	s8 =	sld [smem:$0x3FA3]  }
0x2e: {  	s3 =	simm.s32 @!p0 $0x1082;
	s9 =	sld [smem:$0x3FA4]  }
0x2f: {  	lr =	sadd.s32 s0, s3;
	s0 =	sld [smem:$0x3F9B]  }
0x30: {  	s3 =	sld [smem:$0x3F9E]  }
0x31: {  	[smem:$0x3FA7] =	sst s10  }
0x32: {  	s10 =	sld [smem:$0x3FA5];
	_ =	sdelay $0x3  }
0x33: {  	p0 =	seq.s32 s10, $0x1;
	s10 =	sld [smem:$0x3FA7];
	_ =	sdelay $0x3  }
0x34: {  	[smem:$0x3FA7] =	sst s10  }
0x35: {  	s10 =	sld [smem:$0x3FA6];
	_ =	sdelay $0x3  }
0x36: {  	p1 =	seq.s32 s10, $0x1;
	s10 =	sld [smem:$0x3FA7];
	_ =	sdelay $0x3  }
0x37: {  	[smem:$0x3FA7] =	sst s10  }
0x38: {  	s10 =	sld [smem:$0x3FA8]  }
0x39: {  	_ = 	snop;
	(pc) =	sbr.ind lr, $3  }
0x3a: {  	_ = 	snop  }
0x3b: {  	_ = 	snop  }
0x3c: {  	p2 =	seq.s32 s10, $0x1;
	s10 =	sld [smem:$0x3FA7]  }
0x3d: {  	_ =	shalt  }
0x3e: {  	_ =	shalt  }
0x3f: {  	_ =	shalt  }
0x40: {  	_ =	shalt  }
0x41: {  	_ =	shalt  }
0x42: {  	_ =	shalt  }
0x43: {  	_ =	shalt  }
0x44: {  	_ =	shalt  }
0x45: {  	_ =	shalt  }
0x46: {  	_ =	shalt  }
0x47: {  	_ =	shalt  }
0x48: {  	_ =	shalt  }
0x49: {  	_ =	shalt  }
0x4a: {  	_ =	shalt  }
0x4b: {  	_ =	shalt  }
0x4c: {  	_ =	shalt  }
0x4d: {  	_ =	shalt  }
0x4e: {  	_ =	shalt  }
0x4f: {  	_ =	shalt  }
0x50: {  	_ =	shalt  }
0x51: {  	_ =	shalt  }
0x52: {  	_ =	shalt  }
0x53: {  	_ =	shalt  }
0x54: {  	_ =	shalt  }
0x55: {  	_ =	shalt  }
0x56: {  	_ =	shalt  }
0x57: {  	_ =	shalt  }
0x58: {  	_ =	shalt  }
0x59: {  	_ =	shalt  }
0x5a: {  	_ =	shalt  }
0x5b: {  	_ =	shalt  }
0x5c: {  	_ =	shalt  }
0x5d: {  	_ =	shalt  }
0x5e: {  	_ =	shalt  }
0x5f: {  	_ =	shalt  }
0x60: {  	_ =	shalt  }
0x61: {  	_ =	shalt  }
0x62: {  	_ =	shalt  }
0x63: {  	_ =	shalt  }
0x64: {  	_ =	shalt  }
0x65: {  	_ =	shalt  }
0x66: {  	_ =	shalt  }
0x67: {  	_ =	shalt  }
0x68: {  	_ =	shalt  }
0x69: {  	_ =	shalt  }
0x6a: {  	_ =	shalt  }
0x6b: {  	_ =	shalt  }
0x6c: {  	_ =	shalt  }
0x6d: {  	_ =	shalt  }
0x6e: {  	_ =	shalt  }
0x6f: {  	_ =	shalt  }
0x70: {  	_ =	shalt  }
0x71: {  	_ =	shalt  }
0x72: {  	_ =	shalt  }
0x73: {  	_ =	shalt  }
0x74: {  	_ =	shalt  }
0x75: {  	_ =	shalt  }
0x76: {  	_ =	shalt  }
0x77: {  	_ =	shalt  }
0x78: {  	_ =	shalt  }
0x79: {  	_ =	shalt  }
0x7a: {  	_ =	shalt  }
0x7b: {  	_ =	shalt  }
0x7c: {  	_ =	shalt  }
0x7d: {  	_ =	shalt  }
0x7e: {  	_ =	shalt  }
0x7f: {  	_ =	shalt  }
0x80: {  	_ =	shalt  }
0x81: {  	_ =	shalt  }
0x82: {  	_ =	shalt  }
0x83: {  	_ =	shalt  }
0x84: {  	_ =	shalt  }
0x85: {  	_ =	shalt  }
0x86: {  	_ =	shalt  }
0x87: {  	_ =	shalt  }
.Lfunc_end0:
.L_simem_size_0:
called_computation.2_lowered:
.L_overlay_start_0:
0x88: {  	s2 =	sld [smem:$0x3FD9]  }
0x89: {  	s3 =	sld [smem:$0x3FFE];
	_ =	sdelay $0x1  }
0x8a: {  	s1 =	srdreg.scid  }
0x8b: {  	s0 =	sand.u32 $0x1, s1  }
0x8c: {  	s16 =	sshll.u32 s0, $0xA;
	s2 =	sadd.s32 s3, s2  }
0x8d: {  	s2 =	sadd.s32 s2, s16  }
0x8e: {  	[smem:$0x3FB3] =	sst s2  }
0x8f: {  	_ = 	snop  }
0x90: {  	(tm) =	ssettm $0x1  }
0x91: {  	s17 =	sld [smem:$0x3FFB];
	_ =	sdelay $0x3  }
0x92: {  	_ =	strace s17  }
0x93: {  	s2 =	sld [smem:$0x3FFC];
	_ =	sdelay $0x3  }
0x94: {  	_ =	strace s2  }
0x95: {  	s2 =	sld [smem:$0x3FFD];
	_ =	sdelay $0x3  }
0x96: {  	_ =	strace s2  }
0x97: {  	_ =	strace $0x8FFFFFFF  }
0x98: {  	s18 =	sld [smem:$0x3FDB];
	_ =	sdelay $0x1  }
0x99: {  	s19 =	simm.s32 $_scs_section_size  }
0x9a: {  	s4 =	simm.s32 $_size__tile_overlayer_lowered;
	s5 =	simm.s32 $_tile_overlayer_lowered  }
0x9b: {  	s22 =	simm.s32 $0x1BFF;
	s21 =	sshll.u32 s5, $0x1;
	s2 =	sadd.s32 s19, s18  }
0x9c: {  	s6 =	simm.s32 $0x0;
	s20 =	sshll.u32 s4, $0x1;
	s4 =	sadd.s32 s21, s2  }
0x9d: {  	[timem:s6], [sflag:s22] =	dma.local [hbm:s4], s20  }
0x9e: {  	_ =	swait.ge [sflag:s22], s20  }
0x9f: {  	s3 =	ssub.s32 $0x0, s20;
	[sflag:s22] =	ssyncset.done $0x0  }
0xa0: {  	[sflag:s22] =	ssyncadd.s32 s3;
	_ =	sdelay $0x1  }
0xa1: {  	s23 =	simm.s32 $0x1B8B  }
0xa2: {  	_ =	swait.ge [sflag:s23], $0x1  }
0xa3: {  	[sflag:s23] =	ssyncset.done $0x0  }
0xa4: {  	s25 =	simm.s32 $0x1B8E;
	s24 =	sld [smem:$0x3FFE];
	[sflag:s23] =	ssyncadd.s32 $0xFFFFFFFF  }
0xa5: {  	s26 =	simm.s32 $execute0_lowered;
	[smem:$0x3FD2] =	sst s25  }
0xa6: {  	s4 =	sshll.u32 s26, $0x1;
	_ =	strace $0x8000004C;
	[dreg:$0x1] =	wrdreg $0xFFFFFFFF  }
0xa7: {  	s28 =	simm.s32 $_size_execute0_lowered;
	s2 =	sadd.s32 s2, s4;
	[dreg:$0x0] =	wrdreg $0x0  }
0xa8: {  	s4 =	sshll.u32 s28, $0x1;
	[dreg:$0x2] =	wrdreg s2  }
0xa9: {  	[dreg:$0x3] =	wrdreg s4  }
0xaa: {  	[dreg:$0x4] =	wrdreg $0xC0  }
0xab: {  	_ =	task [dreg:s6], $0x5FFFF  }
0xac: {  	[dreg:$0x1] =	wrdreg $0xFFFFFFFF  }
0xad: {  	[dreg:$0x0] =	wrdreg $0x60  }
0xae: {  	[dreg:$0x2] =	wrdreg s24  }
0xaf: {  	[dreg:$0x3] =	wrdreg $0x9  }
0xb0: {  	_ =	task.clear_ibuf [dreg:s6], $0x4FFFF;
	_ =	strace $0x9000004C  }
0xb1: {  	s29 =	simm.s32 $0x9;
	_ =	strace $0x8000004E  }
0xb2: {  	_ =	swait.ge [sflag:s29], $0x1  }
0xb3: {  	[sflag:s29] =	ssyncadd.s32 $0xFFFFFFFF  }
0xb4: {  	_ =	strace $0x9000004E  }
0xb5: {  	_ =	sfence  }
0xb6: {  	s30 =	sld [smem:$0x0];
	_ =	sdelay $0x2  }
0xb7: {  	s31 =	sshll.u32 s1, $0xD;
	s1 =	sshrl.u32 s1, $0x2  }
0xb8: {  	s3 =	sand.u32 $0x4000, s31;
	s1 =	sadd.s32 s1, s30  }
0xb9: {  	s0 =	sor.u32 s3, s0;
	s1 =	sshll.u32 s1, $0x11  }
0xba: {  	s0 =	sor.u32 s1, s0  }
0xbb: {  	s0 =	sadd.s32 $0x8F2B, s0  }
0xbc: {  	[sflag:s0] =	ssyncadd.remote.s32 $0x1  }
0xbd: {  	_ =	sfence.sel $0xFFFF  }
0xbe: {  	[dreg:$0x0] =	wrdreg $0xFFFFFFFF;
	(pc) =	sbr.abs _section_cstart, $3  }
0xbf: {  	[dreg:$0x1] =	wrdreg $0xFFFFFFFF  }
0xc0: {  	_ =	task.clear_ibuf [dreg:s6], $0x2FFFF;
	_ =	strace $0x9FFFFFFF  }
0xc1: {  	(tm) =	ssettm $0x7FFFFFFF  }
tec
execute0_lowered:
.L_overlay_start_1:
0x0: {  	(tag) =	ssettag $0x1  }
0x1: {  	s0 =	srdreg.scid;
	s5 =	rddreg [dreg:$0x0]  }
0x2: {  	s1 =	stileid.u32;
	s6 =	simm.s32 $0x1;
	s9 =	simm.s32 $0x1  }
0x3: {  	s10 =	simm.s32 $0x3;
	s13 =	simm.s32 $0x0;
	s2 =	sshll.u32 s0, $0xE  }
0x4: {  	s12 =	simm.s32 $0x0;
	s3 =	sshll.u32 s1, $0xF;
	s4 =	sand.u32 $0x4000, s2  }
0x5: {  	s0 =	rddreg [dreg:$0x1];
	_ =	strace $0x8000004D;
	s3 =	sor.u32 s3, s4  }
0x6: {  	s2 =	sadd.s32 $0x4B5200, s5;
	[sflag:s6] =	ssyncpa.u1 $0x0;
	s8 =	ssub.s32 $0x100000, s3  }
.Ltmp0:
0x7: {  	s4 =	sadd.s32 $0x179200, s5;
	s7 =	sand.u32 $0x7C000, s8;
	(pc) =	sbr.rel .LBB2_1-.Ltmp0, $4  }
0x8: {  	s5 =	sadd.s32 $0x199200, s5;
	s11 =	smov.u32 s3;
	p0 =	sne.s32 s7, $0x0  }
0x9: {  	s8 =	sshrl.u32 s8, $0x13;
	s7 =	simm.s32 $0x2;
	s9 =	simm.s32 @!p0 $0x0  }
0xa: {  	[sflag:s7] =	ssyncpa.u1 $0x0;
	p0 =	por $0x0, $0x0;
	s8 =	sadd.s32 s9, s8  }
0xb: {  	vm0 =	vmmov $0xffff;
	[sflag:s10] =	ssyncpa.u1 $0x0;
	s10 =	simm.s32 $0x0;
	s9 =	sadd.s32 $0x1, s8  }
.LBB2_4:
0xc: {  	vm1 =	veq.s32 v4, $0x80000000;
	v56 =	vand.u32 $0x1FFF, v4;
	v6 =	vand.u32 $0x7FF, v6  }
0xd: {  	v2 =	vor.u32 v2, v5;
	v59 =	vshrl.u32 v1, $0xD;
	v60 =	vand.u32 $0x1FFF, v1  }
0xe: {  	v4 =	vsel vm1, $0xFFFFFFFF, v56;
	v6 =	vsel vm1, $0xFFFFFFFF, v6;
	v2 =	vor.u32 v3, v2  }
0xf: {  	vm1 =	veq.s32 v1, $0x80000000;
	v5 =	vand.u32 $0x7FF, v59;
	v7 =	vshrl.u32 v4, $0x3  }
0x10: {  	v57 =	vshll.u32 v6, $0x3;
	v4 =	vshll.u32 v4, $0x7;
	v1 =	vsel vm1, $0xFFFFFFFF, v60  }
0x11: {  	v5 =	vsel vm1, $0xFFFFFFFF, v5;
	v6 =	vand.u32 $0x7F, v6;
	v7 =	vmul.u32 $0x2400, v7  }
0x12: {  	v58 =	vand.u32 $0xFFFFFC00, v57;
	v4 =	vand.u32 $0x380, v4;
	v61 =	vshrl.u32 v1, $0x3  }
0x13: {  	v62 =	vshll.u32 v5, $0x3;
	v3 =	vadd.s32 v7, v58;
	v7 =	vmul.u32 $0x2400, v61  }
0x14: {  	v1 =	vshll.u32 v1, $0x7;
	v3 =	vor.u32 v4, v3;
	v4 =	vand.u32 $0xFFFFFC00, v62  }
0x15: {  	v1 =	vand.u32 $0x380, v1;
	v3 =	vor.u32 v6, v3;
	v4 =	vadd.s32 v7, v4  }
0x16: {  	[tilespmem:s16], [sflag:$0x1] =	stream.indirect_vreg.gather [hbm4b:s2+s10], $0x1, v0, vm0, $0x4038;
	v63 =	vand.u32 $0x7F, v5;
	v1 =	vor.u32 v1, v4;
	[tilespmem:$0x10000] =	vst v63  }
0x17: {  	s15 =	sadd.s32 $0x10, s15;
	(ifvalue) =	ssetifvalue $0x7FFFFFFF;
	v0 =	vor.u32 v63, v1  }
0x18: {  	[tilespmem:s15], [sflag:$0x1] =	stream.indirect_vreg.gather [hbm4b:s2+s10], $0x1, v2, vm0, $0x4038;
	[tilespmem:$0x10000] =	vst v63  }
0x19: {  	s15 =	sadd.s32 $0x10, s15;
	(ifvalue) =	ssetifvalue $0x7FFFFFFF  }
0x1a: {  	[tilespmem:s15], [sflag:$0x1] =	stream.indirect_vreg.gather [hbm4b:s2+s10], $0x1, v3, vm0, $0x4038;
	[tilespmem:$0x10000] =	vst v63  }
0x1b: {  	s15 =	sadd.s32 $0x10, s15;
	(ifvalue) =	ssetifvalue $0x7FFFFFFF  }
0x1c: {  	[tilespmem:s15], [sflag:$0x1] =	stream.indirect_vreg.gather [hbm4b:s2+s10], $0x1, v0, vm0, $0x4038;
	[tilespmem:$0x10000] =	vst v63  }
0x1d: {  	_ =	swait.ge [sflag:s6], $0x4000  }
0x1e: {  	s30 =	sshrl.u32 s13, $0x3;
	[sflag:s6] =	ssyncset.done $0x0  }
0x1f: {  	s31 =	sand.u32 $0x7, s13;
	s15 =	sadd.s32 s5, s30;
	[sflag:s6] =	ssyncadd.s32 $0xFFFFC000  }
0x20: {  	[hbm4b:s15+s31] =	stream.linear.scatter [tilespmem:s14], [sflag:$0x3], $0x4000, $0x38;
	[tilespmem:$0x10000] =	vst v63  }
.LBB2_5:
0x21: {  	s15 =	sadd.s32 $0x80000, s11  }
0x22: {  	p2 =	sgt.s32 s15, $0xFFFFF  }
0x23: {  	s15 =	smov.u32 @p2 s3;
	p2 =	sne.s32 s12, s9  }
.Ltmp1:
0x24: {  	p1 =	slt.u32 s12, $0x2;
	(pc) =	sbr.rel @!p2 .LBB2_6-.Ltmp1, $4  }
0x25: {  	s14 =	simm.s32 @!p1 $0x3  }
0x26: {  	s16 =	sadd.s32 $0x1, s12;
	_ =	swait.ge @!p1 [sflag:s14], $0x4000  }
0x27: {  	s13 =	smov.u32 s11;
	p0 =	por !p0, !p0;
	[sflag:s14] =	ssyncset.done @!p1 $0x0  }
0x28: {  	s12 =	smov.u32 s16;
	s11 =	smov.u32 s15;
	[sflag:s14] =	ssyncadd.s32 @!p1 $0xFFFFC000  }
.LBB2_1:
0x29: {  	p1 =	sge.u32 s12, s8  }
0x2a: {  	s14 =	sxor.u32 @!p1 $0xFFFFFFFF, s12  }
0x2b: {  	s31 =	sadd.s32 $0xFFFFFFFF, s12;
	s15 =	sshrl.u32 @!p1 s11, $0x3;
	s14 =	sshll.u32 @!p1 s14, $0xE  }
0x2c: {  	s16 =	sand.u32 @!p1 $0x7, s11;
	s15 =	sadd.s32 @!p1 s4, s15;
	s14 =	sand.u32 @!p1 $0x4000, s14  }
0x2d: {  	[tilespmem:s14], [sflag:$0x2] =	stream.linear.gather @!p1 [hbm4b:s15+s16], $0x4000, $0x38;
	[tilespmem:$0x10000] =	vst v63  }
0x2e: {  	p1 =	sge.u32 s31, s8  }
.Ltmp2:
0x2f: {  	_ = 	snop;
	(pc) =	sbr.rel @p1 .LBB2_5-.Ltmp2, $1  }
0x30: {  	_ =	sdelay $0x3  }
0x31: {  	s14 =	simm.s32 $0x1  }
0x32: {  	_ =	swait.ge [sflag:s7], $0x4000;
	s14 =	simm.s32 @!p0 $0x0  }
0x33: {  	[sflag:s7] =	ssyncset.done $0x0;
	s14 =	sshll.u32 s14, $0xE  }
0x34: {  	[sflag:s7] =	ssyncadd.s32 $0xFFFFC000;
	(ifvalue) =	ssetifvalue $0x7FFFFFFF;
	v0 =	vld.msk [tilespmem:s14+$0x0 ss:$0x1], $0xffff  }
0x35: {  	s15 =	sadd.s32 $0x10, s14  }
0x36: {  	v1 =	vld.msk [tilespmem:s15+$0x0 ss:$0x1], $0xffff;
	_ =	sdelay $0x2  }
0x37: {  	v2 =	vshrl.u32 v0, $0xD  }
0x38: {  	vm1 =	veq.s32 v0, $0x80000000;
	v0 =	vand.u32 $0x1FFF, v0;
	v2 =	vand.u32 $0x7FF, v2  }
0x39: {  	v0 =	vsel vm1, $0xFFFFFFFF, v0;
	v6 =	vshrl.u32 v1, $0xD;
	v2 =	vsel vm1, $0xFFFFFFFF, v2  }
0x3a: {  	v3 =	vshrl.u32 v0, $0x3;
	v0 =	vshll.u32 v0, $0x7;
	vm1 =	veq.s32 v1, $0x80000000  }
0x3b: {  	s15 =	sadd.s32 $0x10, s15;
	v1 =	vand.u32 $0x1FFF, v1;
	v4 =	vshll.u32 v2, $0x3;
	v3 =	vmul.u32 $0x2400, v3  }
0x3c: {  	v0 =	vand.u32 $0x380, v0;
	v7 =	vand.u32 $0x7F, v2;
	v5 =	vand.u32 $0xFFFFFC00, v4;
	v4 =	vld.msk [tilespmem:s15+$0x0 ss:$0x1], $0xffff  }
0x3d: {  	v1 =	vsel vm1, $0xFFFFFFFF, v1;
	v2 =	vadd.s32 v3, v5;
	v3 =	vand.u32 $0x7FF, v6  }
0x3e: {  	v3 =	vsel vm1, $0xFFFFFFFF, v3;
	v0 =	vor.u32 v0, v2;
	v2 =	vshrl.u32 v1, $0x3  }
0x3f: {  	s16 =	sshll.u32 s12, $0xE;
	s18 =	simm.s32 $0x30;
	v1 =	vshll.u32 v1, $0x7;
	v5 =	vshll.u32 v3, $0x3;
	v8 =	vmul.u32 $0x2400, v2  }
0x40: {  	s31 =	sand.u32 $0x4000, s16;
	s17 =	sadd.s32 $0x10, s15;
	s15 =	sor.u32 $0x8000, s14;
	v2 =	vand.u32 $0x380, v1;
	v0 =	vor.u32 v7, v0;
	v5 =	vand.u32 $0xFFFFFC00, v5  }
0x41: {  	s14 =	sor.u32 $0x8000, s31;
	s16 =	smov.u32 s15;
	v1 =	vld.msk [tilespmem:s17+$0x0 ss:$0x1], $0xffff;
	v3 =	vand.u32 $0x7F, v3;
	(ifvalue) =	ssetifvalue $0x7FFFFFFF;
	v6 =	vshrl.u32 v4, $0xD;
	v5 =	vadd.s32 v8, v5  }
.LBB2_3:
0x42: {  	s18 =	sadd.s32 $0x10, s18  }
0x43: {  	vm1 =	veq.s32 v4, $0x80000000;
	v4 =	vand.u32 $0x1FFF, v4;
	v6 =	vand.u32 $0x7FF, v6;
	s15 =	sadd.s32 $0x10, s15;
	p1 =	slt.u32 s18, $0x3FF0  }
.Ltmp3:
0x44: {  	v5 =	vor.u32 v2, v5;
	v4 =	vsel vm1, $0xFFFFFFFF, v4;
	v7 =	vsel vm1, $0xFFFFFFFF, v6;
	(pc) =	sbr.rel @p1 .LBB2_3-.Ltmp3, $4  }
0x45: {  	v2 =	vshrl.u32 v4, $0x3;
	v6 =	vshll.u32 v7, $0x3;
	v4 =	vshll.u32 v4, $0x7;
	[tilespmem:s16], [sflag:$0x1] =	stream.indirect_vreg.gather [hbm4b:s2+s10], $0x1, v0, vm0, $0x4038;
	[tilespmem:$0x10000] =	vst v63  }
0x46: {  	v0 =	vor.u32 v3, v5;
	s16 =	smov.u32 s15;
	v8 =	vmul.u32 $0x2400, v2;
	v2 =	vand.u32 $0x380, v4  }
0x47: {  	s17 =	sadd.s32 $0x10, s17;
	v9 =	vand.u32 $0xFFFFFC00, v6  }
0x48: {  	v3 =	vand.u32 $0x7F, v7;
	v6 =	vshrl.u32 v1, $0xD;
	v5 =	vadd.s32 v8, v9;
	(ifvalue) =	ssetifvalue $0x7FFFFFFF;
	v4 =	vmovc v1;
	v1 =	vld.msk [tilespmem:s17+$0x0 ss:$0x1], $0xffff  }
.Ltmp4:
0x49: {  	_ = 	snop;
	(pc) =	sbr.rel .LBB2_4-.Ltmp4, $1  }
0x4a: {  	_ =	sdelay $0x3  }
.LBB2_6:
0x4b: {  	_ =	sfence.sel $0x180000  }
0x4c: {  	s2 =	simm.s32 $0x2;
	[bflag:$0x0] =	sbarrier.arrive $0xFFFF  }
0x4d: {  	s30 =	simm.s32 $0x3;
	[sflag:s2] =	ssyncpa.u1 $0x1  }
0x4e: {  	s31 =	simm.s32 $0x1;
	[sflag:s30] =	ssyncpa.u1 $0x1  }
0x4f: {  	[sflag:s31] =	ssyncpa.u1 $0x1  }
0x50: {  	p0 =	sne.s32 s1, $0x0;
	_ =	strace $0x9000004D  }
0x51: {  	s0 =	sadd.s32 @!p0 $0x100000, s0;
	[bflag:$0x2] =	sbarrier.arrive $0xFFFF  }
0x52: {  	[sflag:s0] =	ssyncadd.tile.s32 @!p0 $0x1;
	_ =	shalt  }
.Lfunc_end2:
_tile_overlayer_lowered:
.L_overlay_start_2:
0x53: {  	(tag) =	ssettag $0x2  }
0x54: {  	s0 =	rddreg [dreg:$0x0];
	s2 =	stileid.u32  }
0x55: {  	s1 =	rddreg [dreg:$0x1];
	p0 =	sne.s32 s2, $0x0  }
0x56: {  	s3 =	rddreg [dreg:$0x2];
	[bflag:$0x3] =	sbarrier.arrive $0xFFFF;
	s2 =	simm.s32 @!p0 $0x1C01  }
0x57: {  	[timem:s3], [sflag:s2] =	dma.local @!p0 [hbm:s0], s1  }
0x58: {  	s0 =	simm.s32 @!p0 $0x1  }
0x59: {  	_ =	swait.ge @!p0 [sflag:s0], s1  }
0x5a: {  	s1 =	ssub.s32 @!p0 $0x0, s1;
	[sflag:s0] =	ssyncset.done @!p0 $0x0  }
0x5b: {  	[sflag:s0] =	ssyncadd.s32 @!p0 s1  }
0x5c: {  	[bflag:$0x3] =	sbarrier.arrive $0xFFFF  }
0x5d: {  	_ =	shalt  }

// kernel: scatter_offload_async_start
scs
__scs_entry_jumppad:
0x0: {  	(pc) =	sbr.rel $0x88, $3  }
0x1: {  	(tag) =	ssettag $0x0;
	lr =	simm.s32 $0x1  }
0x2: {  	[smem:$0x3F8C] =	sst lr;
	_ =	strace $0xD0000000  }
0x3: {  	_ = 	snop  }
0x4: {  	_ = 	snop  }
0x5: {  	_ = 	snop  }
0x6: {  	_ = 	snop  }
0x7: {  	_ = 	snop  }
__scs_overlays_trampoline_lowered:
0x8: {  	[smem:$0x3F9B] =	sst s0  }
0x9: {  	[smem:$0x3F9C] =	sst s1  }
0xa: {  	[smem:$0x3F9D] =	sst s2  }
0xb: {  	[smem:$0x3F9E] =	sst s3  }
0xc: {  	[smem:$0x3F9F] =	sst s4  }
0xd: {  	[smem:$0x3FA0] =	sst s5  }
0xe: {  	[smem:$0x3FA1] =	sst s6  }
0xf: {  	[smem:$0x3FA2] =	sst s7  }
0x10: {  	[smem:$0x3FA3] =	sst s8  }
0x11: {  	[smem:$0x3FA4] =	sst s9;
	s0 =	simm.s32 @!p0 $0x0  }
0x12: {  	s1 =	sld [smem:$0x3F8A];
	s0 =	simm.s32 @p0 $0x1  }
0x13: {  	[smem:$0x3FA5] =	sst s0;
	s0 =	simm.s32 @!p1 $0x0  }
0x14: {  	s2 =	sld [smem:$0x3F89];
	s0 =	simm.s32 @p1 $0x1  }
0x15: {  	[smem:$0x3FA6] =	sst s0;
	s0 =	simm.s32 @!p2 $0x0  }
0x16: {  	s3 =	sld [smem:$0x3FDB];
	s0 =	simm.s32 @p2 $0x1  }
0x17: {  	s4 =	simm.s32 $0x1BF5;
	[smem:$0x3FA8] =	sst s0  }
0x18: {  	s0 =	sld [smem:$0x3F8B];
	_ =	swait.ge [sflag:s4], $0x0  }
0x19: {  	s7 =	sld [smem:$0x3F8C]  }
0x1a: {  	s8 =	sadd.s32 $0xFFFFE003, lr  }
0x1b: {  	s9 =	sadd.s32 $0xFFFFFEF7, lr;
	s5 =	simm.s32 $0xFFFFFFFF;
	p2 =	slt.u32 s8, $0xFFFFF086  }
0x1c: {  	p1 =	slt.u32 s9, $0xF7A;
	s5 =	simm.s32 @!p2 $0x0  }
0x1d: {  	s5 =	simm.s32 @p1 $0x1;
	p0 =	seq.s32 s7, s2  }
0x1e: {  	s7 =	smul.u32 @!p0 $0xF7A, s2;
	p2 =	seq.s32 @!p0 s5, $0x0  }
0x1f: {  	s9 =	smul.u32 $0xF7A, s1;
	s8 =	simm.s32 @!p0 $0x1BF5;
	p2 =	por !p2, p0  }
0x20: {  	[sflag:s8] =	ssyncset.s32 @!p0 $0xFFFFF086;
	s6 =	sadd.s32 @!p0 s3, s7;
	s7 =	simm.s32 @!p0 $0x108  }
0x21: {  	s3 =	sadd.s32 s3, s9;
	s6 =	sadd.s32 @!p0 $0x88, s6;
	s7 =	simm.s32 @p2 $0x1082  }
0x22: {  	[simem:s7], [sflag:s8] =	dma.local @!p0 [hbm:s6], $0xF7A  }
0x23: {  	s9 =	sor.u32 $0xD0000000, s2;
	s6 =	simm.s32 $0x108;
	_ =	swait.ge @!p0 [sflag:s8], $0x0  }
0x24: {  	s3 =	sadd.s32 $0x88, s3;
	s6 =	simm.s32 @!p1 $0x1082;
	[sflag:s4] =	ssyncset.s32 $0xFFFFF086  }
0x25: {  	[simem:s6], [sflag:s4] =	dma.local [hbm:s3], $0xF7A  }
0x26: {  	[smem:$0x3F8C] =	sst s1;
	(tag) =	ssettag s2;
	_ =	strace s9  }
0x27: {  	s1 =	sld [smem:$0x3F9C]  }
0x28: {  	s2 =	sld [smem:$0x3F9D]  }
0x29: {  	s4 =	sld [smem:$0x3F9F]  }
0x2a: {  	p0 =	seq.s32 s5, $0x0;
	s5 =	sld [smem:$0x3FA0]  }
0x2b: {  	s6 =	sld [smem:$0x3FA1]  }
0x2c: {  	s7 =	sld [smem:$0x3FA2]  }
0x2d: {  	s3 =	simm.s32 $0x108;
	s8 =	sld [smem:$0x3FA3]  }
0x2e: {  	s3 =	simm.s32 @!p0 $0x1082;
	s9 =	sld [smem:$0x3FA4]  }
0x2f: {  	lr =	sadd.s32 s0, s3;
	s0 =	sld [smem:$0x3F9B]  }
0x30: {  	s3 =	sld [smem:$0x3F9E]  }
0x31: {  	[smem:$0x3FA7] =	sst s10  }
0x32: {  	s10 =	sld [smem:$0x3FA5];
	_ =	sdelay $0x3  }
0x33: {  	p0 =	seq.s32 s10, $0x1;
	s10 =	sld [smem:$0x3FA7];
	_ =	sdelay $0x3  }
0x34: {  	[smem:$0x3FA7] =	sst s10  }
0x35: {  	s10 =	sld [smem:$0x3FA6];
	_ =	sdelay $0x3  }
0x36: {  	p1 =	seq.s32 s10, $0x1;
	s10 =	sld [smem:$0x3FA7];
	_ =	sdelay $0x3  }
0x37: {  	[smem:$0x3FA7] =	sst s10  }
0x38: {  	s10 =	sld [smem:$0x3FA8]  }
0x39: {  	_ = 	snop;
	(pc) =	sbr.ind lr, $3  }
0x3a: {  	_ = 	snop  }
0x3b: {  	_ = 	snop  }
0x3c: {  	p2 =	seq.s32 s10, $0x1;
	s10 =	sld [smem:$0x3FA7]  }
0x3d: {  	_ =	shalt  }
0x3e: {  	_ =	shalt  }
0x3f: {  	_ =	shalt  }
0x40: {  	_ =	shalt  }
0x41: {  	_ =	shalt  }
0x42: {  	_ =	shalt  }
0x43: {  	_ =	shalt  }
0x44: {  	_ =	shalt  }
0x45: {  	_ =	shalt  }
0x46: {  	_ =	shalt  }
0x47: {  	_ =	shalt  }
0x48: {  	_ =	shalt  }
0x49: {  	_ =	shalt  }
0x4a: {  	_ =	shalt  }
0x4b: {  	_ =	shalt  }
0x4c: {  	_ =	shalt  }
0x4d: {  	_ =	shalt  }
0x4e: {  	_ =	shalt  }
0x4f: {  	_ =	shalt  }
0x50: {  	_ =	shalt  }
0x51: {  	_ =	shalt  }
0x52: {  	_ =	shalt  }
0x53: {  	_ =	shalt  }
0x54: {  	_ =	shalt  }
0x55: {  	_ =	shalt  }
0x56: {  	_ =	shalt  }
0x57: {  	_ =	shalt  }
0x58: {  	_ =	shalt  }
0x59: {  	_ =	shalt  }
0x5a: {  	_ =	shalt  }
0x5b: {  	_ =	shalt  }
0x5c: {  	_ =	shalt  }
0x5d: {  	_ =	shalt  }
0x5e: {  	_ =	shalt  }
0x5f: {  	_ =	shalt  }
0x60: {  	_ =	shalt  }
0x61: {  	_ =	shalt  }
0x62: {  	_ =	shalt  }
0x63: {  	_ =	shalt  }
0x64: {  	_ =	shalt  }
0x65: {  	_ =	shalt  }
0x66: {  	_ =	shalt  }
0x67: {  	_ =	shalt  }
0x68: {  	_ =	shalt  }
0x69: {  	_ =	shalt  }
0x6a: {  	_ =	shalt  }
0x6b: {  	_ =	shalt  }
0x6c: {  	_ =	shalt  }
0x6d: {  	_ =	shalt  }
0x6e: {  	_ =	shalt  }
0x6f: {  	_ =	shalt  }
0x70: {  	_ =	shalt  }
0x71: {  	_ =	shalt  }
0x72: {  	_ =	shalt  }
0x73: {  	_ =	shalt  }
0x74: {  	_ =	shalt  }
0x75: {  	_ =	shalt  }
0x76: {  	_ =	shalt  }
0x77: {  	_ =	shalt  }
0x78: {  	_ =	shalt  }
0x79: {  	_ =	shalt  }
0x7a: {  	_ =	shalt  }
0x7b: {  	_ =	shalt  }
0x7c: {  	_ =	shalt  }
0x7d: {  	_ =	shalt  }
0x7e: {  	_ =	shalt  }
0x7f: {  	_ =	shalt  }
0x80: {  	_ =	shalt  }
0x81: {  	_ =	shalt  }
0x82: {  	_ =	shalt  }
0x83: {  	_ =	shalt  }
0x84: {  	_ =	shalt  }
0x85: {  	_ =	shalt  }
0x86: {  	_ =	shalt  }
0x87: {  	_ =	shalt  }
.Lfunc_end0:
.L_simem_size_0:
called_computation_lowered:
.L_overlay_start_0:
0x88: {  	s0 =	sld [smem:$0x3FD9]  }
0x89: {  	s1 =	sld [smem:$0x3FFE];
	_ =	sdelay $0x3  }
0x8a: {  	s0 =	sadd.s32 s1, s0  }
0x8b: {  	[smem:$0x3FB3] =	sst s0  }
0x8c: {  	_ = 	snop  }
0x8d: {  	s0 =	sld [smem:$0x3FD0];
	(tm) =	ssettm $0x1  }
0x8e: {  	s16 =	sld [smem:$0x3FFB];
	_ =	sdelay $0x3  }
0x8f: {  	_ =	strace s16  }
0x90: {  	s1 =	sld [smem:$0x3FFC];
	_ =	sdelay $0x3  }
0x91: {  	_ =	strace s1  }
0x92: {  	s1 =	sld [smem:$0x3FFD];
	_ =	sdelay $0x3  }
0x93: {  	_ =	strace s1  }
0x94: {  	_ =	strace $0x8FFFFFFF  }
0x95: {  	s17 =	sld [smem:$0x3FDB];
	_ =	sdelay $0x1  }
0x96: {  	s2 =	simm.s32 $_scs_section_size  }
0x97: {  	s3 =	simm.s32 $_size__tile_overlayer_lowered;
	s4 =	simm.s32 $_tile_overlayer_lowered  }
0x98: {  	s20 =	simm.s32 $0x1BFF;
	s19 =	sshll.u32 s4, $0x1;
	s1 =	sadd.s32 s2, s17  }
0x99: {  	s5 =	simm.s32 $0x0;
	s18 =	sshll.u32 s3, $0x1;
	s3 =	sadd.s32 s19, s1  }
0x9a: {  	[timem:s5], [sflag:s20] =	dma.local [hbm:s3], s18  }
0x9b: {  	_ =	swait.ge [sflag:s20], s18  }
0x9c: {  	s2 =	ssub.s32 $0x0, s18;
	[sflag:s20] =	ssyncset.done $0x0  }
0x9d: {  	[sflag:s20] =	ssyncadd.s32 s2;
	_ =	sdelay $0x1  }
0x9e: {  	s21 =	simm.s32 $0x1B8B  }
0x9f: {  	_ =	swait.ge [sflag:s21], $0x1  }
0xa0: {  	[sflag:s21] =	ssyncset.done $0x0  }
0xa1: {  	s23 =	simm.s32 $0x1B8E;
	s22 =	sld [smem:$0x3FFE];
	[sflag:s21] =	ssyncadd.s32 $0xFFFFFFFF  }
0xa2: {  	s24 =	simm.s32 $execute0_lowered;
	[smem:$0x3FD2] =	sst s23  }
0xa3: {  	s3 =	sshll.u32 s24, $0x1;
	_ =	strace $0x80000046;
	[dreg:$0x1] =	wrdreg $0xFFFFFFFF  }
0xa4: {  	s25 =	simm.s32 $_size_execute0_lowered;
	s1 =	sadd.s32 s1, s3;
	[dreg:$0x0] =	wrdreg $0x0  }
0xa5: {  	s3 =	sshll.u32 s25, $0x1;
	[dreg:$0x2] =	wrdreg s1  }
0xa6: {  	[dreg:$0x3] =	wrdreg s3  }
0xa7: {  	[dreg:$0x4] =	wrdreg $0xC0  }
0xa8: {  	_ =	task [dreg:s5], $0x5FFFF  }
0xa9: {  	[dreg:$0x1] =	wrdreg $0xFFFFFFFF  }
0xaa: {  	[dreg:$0x0] =	wrdreg $0x60  }
0xab: {  	[dreg:$0x2] =	wrdreg s0  }
0xac: {  	[dreg:$0x3] =	wrdreg s22  }
0xad: {  	[dreg:$0x4] =	wrdreg $0x9  }
0xae: {  	_ =	task.clear_ibuf [dreg:s5], $0x5FFFF;
	_ =	strace $0x90000046  }
0xaf: {  	s26 =	simm.s32 $0x9;
	_ =	strace $0x80000048  }
0xb0: {  	_ =	swait.ge [sflag:s26], $0x1  }
0xb1: {  	[sflag:s26] =	ssyncadd.s32 $0xFFFFFFFF  }
0xb2: {  	_ =	strace $0x90000048  }
0xb3: {  	_ =	sfence  }
0xb4: {  	s28 =	sld [smem:$0x0];
	_ =	sdelay $0x1  }
0xb5: {  	s29 =	srdreg.scid  }
0xb6: {  	s30 =	sshll.u32 s29, $0xD;
	s31 =	sshrl.u32 s29, $0x2  }
0xb7: {  	s2 =	sand.u32 $0x4000, s30;
	s1 =	sand.u32 $0x1, s29;
	s0 =	sadd.s32 s31, s28  }
0xb8: {  	s1 =	sor.u32 s2, s1;
	s0 =	sshll.u32 s0, $0x11  }
0xb9: {  	s0 =	sor.u32 s0, s1  }
0xba: {  	s0 =	sadd.s32 $0x8F2B, s0  }
0xbb: {  	[sflag:s0] =	ssyncadd.remote.s32 $0x1  }
0xbc: {  	_ =	sfence.sel $0xFFFF  }
0xbd: {  	[dreg:$0x0] =	wrdreg $0xFFFFFFFF;
	(pc) =	sbr.abs _section_cstart, $3  }
0xbe: {  	[dreg:$0x1] =	wrdreg $0xFFFFFFFF  }
0xbf: {  	_ =	task.clear_ibuf [dreg:s5], $0x2FFFF;
	_ =	strace $0x9FFFFFFF  }
0xc0: {  	(tm) =	ssettm $0x7FFFFFFF  }
0xc1: {  	_ =	shalt  }
tec
execute0_lowered:
.L_overlay_start_1:
0x0: {  	(tag) =	ssettag $0x1  }
0x1: {  	s1 =	rddreg [dreg:$0x0]  }
0x2: {  	s2 =	rddreg [dreg:$0x1]  }
0x3: {  	s0 =	rddreg [dreg:$0x2];
	s3 =	stileid.u32  }
0x4: {  	_ =	strace $0x80000047;
	s4 =	simm.s32 $0x3E;
	p0 =	sne.s32 s3, $0x0  }
0x5: {  	[sflag:s4] =	ssyncpa.u1 $0x0;
	s5 =	simm.s32 @!p0 $0x1C3E;
	s6 =	simm.s32 @!p0 $0x0  }
0x6: {  	[spmem:s6], [sflag:s5] =	dma.local @!p0 [hbm:s1], $0x200  }
0x7: {  	s5 =	simm.s32 @!p0 $0x3E  }
0x8: {  	_ =	swait.ge @!p0 [sflag:s5], $0x200  }
0x9: {  	[sflag:s5] =	ssyncset.done @!p0 $0x0  }
0xa: {  	s26 =	simm.s32 $0x1;
	[sflag:s5] =	ssyncadd.s32 @!p0 $0xFFFFFE00  }
0xb: {  	s29 =	simm.s32 $0x2;
	s7 =	simm.s32 $0x900;
	[bflag:$0x0] =	sbarrier.arrive $0xFFFF  }
0xc: {  	s28 =	sadd.s32 $0x20D200, s2;
	s30 =	sadd.s32 $0x179200, s2;
	[sflag:s4] =	ssyncpa.u1 $0x1  }
0xd: {  	s3 =	sshll.u32 s3, $0x8;
	s2 =	simm.s32 $0x0;
	[sflag:s26] =	ssyncpa.u1 $0x0  }
0xe: {  	s4 =	sadd.s32 s28, s3;
	(ifvalue) =	ssetifvalue $0x1000;
	[sflag:s29] =	ssyncpa.u1 $0x0  }
0xf: {  	[tilespmem:s7], [sflag:$0x2] =	stream.linear.gather [hbm4b:s4+s2], $0x800, $0x38;
	[tilespmem:$0x2100] =	vst v63  }
0x10: {  	s31 =	sadd.s32 s30, s3;
	s3 =	simm.s32 $0x1900  }
0x11: {  	[tilespmem:s3], [sflag:$0x2] =	stream.linear.gather [hbm4b:s31+s2], $0x800, $0x38;
	[tilespmem:$0x2100] =	vst v63  }
0x12: {  	_ =	swait.ge [sflag:s29], $0x1000  }
0x13: {  	[sflag:s29] =	ssyncset.done $0x0  }
0x14: {  	[sflag:s29] =	ssyncadd.s32 $0xFFFFF000  }
0x15: {  	v0 =	vld.msk [tilespmem:s7+$0x0 ss:$0x1], $0xffff;
	_ =	sdelay $0x4  }
0x16: {  	v0 =	vmin.u32 v0, $0x1000;
	_ =	sdelay $0x3  }
0x17: {  	vm0 =	vmmov $0xffff;
	s5 =	simm.s32 $0x910;
	s4 =	simm.s32 $0x0  }
0x18: {  	[spmem:s2] =	stream.indirect_vreg.scatter.add.s32 [tilespmem:s3], [sflag:$0x1], $0x1, v0, vm0, $0x4038;
	[tilespmem:$0x2100] =	vst v63  }
.LBB2_1:
0x19: {  	v0 =	vld.msk [tilespmem:s5+$0x0 ss:$0x1], $0xffff;
	s4 =	sadd.s32 $0x10, s4  }
0x1a: {  	p1 =	slt.u32 s4, $0x7F0;
	_ =	sdelay $0x4  }
0x1b: {  	v0 =	vmin.u32 v0, $0x1000  }
.Ltmp0:
0x1c: {  	(pc) =	sbr.rel @p1 .LBB2_1-.Ltmp0, $3  }
0x1d: {  	_ =	sdelay $0x1  }
0x1e: {  	s5 =	sadd.s32 $0x10, s5;
	s3 =	sadd.s32 $0x10, s3  }
0x1f: {  	[spmem:s2] =	stream.indirect_vreg.scatter.add.s32 [tilespmem:s3], [sflag:$0x1], $0x1, v0, vm0, $0x4038;
	[tilespmem:$0x2100] =	vst v63  }
0x20: {  	s2 =	simm.s32 $0x1  }
0x21: {  	_ =	swait.ge [sflag:s2], $0x800  }
0x22: {  	[sflag:s2] =	ssyncset.done $0x0  }
0x23: {  	[sflag:s2] =	ssyncadd.s32 $0xFFFFF800  }
0x24: {  	_ =	sfence.sel $0x180000  }
0x25: {  	s3 =	simm.s32 $0x2;
	[bflag:$0x0] =	sbarrier.arrive $0xFFFF  }
0x26: {  	[sflag:s3] =	ssyncpa.u1 $0x1  }
0x27: {  	[sflag:s2] =	ssyncpa.u1 $0x1  }
0x28: {  	_ =	sfence.stream.spmem  }
0x29: {  	s31 =	simm.s32 $0x3D;
	[bflag:$0x0] =	sbarrier.arrive $0xFFFF  }
0x2a: {  	s2 =	simm.s32 @p0 $0x3D;
	[sflag:s31] =	ssyncpa.u1 $0x0  }
0x2b: {  	[sflag:s2] =	ssyncpa.u1 @p0 $0x1  }
0x2c: {  	[bflag:$0x0] =	sbarrier.arrive @p0 $0xFFFF  }
0x2d: {  	_ =	strace @p0 $0x90000047  }
0x2e: {  	s3 =	simm.s32 @!p0 $0x1C3D;
	s2 =	simm.s32 @!p0 $0x0;
	[bflag:$0x2] =	sbarrier.arrive @p0 $0xFFFF  }
0x2f: {  	[hbm:s1], [sflag:s3] =	dma.local @!p0 [spmem:s2], $0x200  }
0x30: {  	s1 =	simm.s32 @!p0 $0x3D  }
0x31: {  	_ =	swait.ge @!p0 [sflag:s1], $0x200  }
0x32: {  	[sflag:s1] =	ssyncset.done @!p0 $0x0  }
0x33: {  	[sflag:s1] =	ssyncadd.s32 @!p0 $0xFFFFFE00  }
0x34: {  	[sflag:s1] =	ssyncpa.u1 @!p0 $0x1  }
0x35: {  	[bflag:$0x0] =	sbarrier.arrive @!p0 $0xFFFF  }
0x36: {  	_ =	strace @!p0 $0x90000047  }
0x37: {  	s0 =	sadd.s32 @!p0 $0x100000, s0;
	[bflag:$0x2] =	sbarrier.arrive @!p0 $0xFFFF  }
0x38: {  	[sflag:s0] =	ssyncadd.tile.s32 @!p0 $0x1;
	_ =	shalt  }
.Lfunc_end2:
_tile_overlayer_lowered:
.L_overlay_start_2:
0x39: {  	(tag) =	ssettag $0x2  }
0x3a: {  	s0 =	rddreg [dreg:$0x0];
	s2 =	stileid.u32  }
0x3b: {  	s1 =	rddreg [dreg:$0x1];
	p0 =	sne.s32 s2, $0x0  }
0x3c: {  	s3 =	rddreg [dreg:$0x2];
	[bflag:$0x3] =	sbarrier.arrive $0xFFFF;
	s2 =	simm.s32 @!p0 $0x1C01  }
0x3d: {  	[timem:s3], [sflag:s2] =	dma.local @!p0 [hbm:s0], s1  }
0x3e: {  	s0 =	simm.s32 @!p0 $0x1  }
0x3f: {  	_ =	swait.ge @!p0 [sflag:s0], s1  }
0x40: {  	s1 =	ssub.s32 @!p0 $0x0, s1;
	[sflag:s0] =	ssyncset.done @!p0 $0x0  }
0x41: {  	[sflag:s0] =	ssyncadd.s32 @!p0 s1  }
0x42: {  	[bflag:$0x3] =	sbarrier.arrive $0xFFFF  }
0x43: {  	_ =	shalt  }

// kernel: sparse-core-data-format-call.cloned.1.call-start
scs
called_computation.1_lowered:
.L_overlay_start_0:
0x0: {  	s1 =	sld [smem:$0x3FD9]  }
0x1: {  	s2 =	sld [smem:$0x3FFE];
	_ =	sdelay $0x1  }
0x2: {  	s3 =	srdreg.scid  }
0x3: {  	s0 =	sand.u32 $0x1, s3  }
0x4: {  	s17 =	sshll.u32 s0, $0xA;
	s1 =	sadd.s32 s2, s1  }
0x5: {  	s1 =	sadd.s32 s1, s17  }
0x6: {  	[smem:$0x3FB3] =	sst s1  }
0x7: {  	_ = 	snop  }
0x8: {  	(tm) =	ssettm $0x1  }
0x9: {  	s18 =	sld [smem:$0x3FFB];
	_ =	sdelay $0x3  }
0xa: {  	_ =	strace s18  }
0xb: {  	s1 =	sld [smem:$0x3FFC];
	_ =	sdelay $0x3  }
0xc: {  	_ =	strace s1  }
0xd: {  	s1 =	sld [smem:$0x3FFD];
	_ =	sdelay $0x3  }
0xe: {  	_ =	strace s1  }
0xf: {  	_ =	strace $0x8FFFFFFF  }
0x10: {  	s19 =	sld [smem:$0x3FDB];
	_ =	sdelay $0x1  }
0x11: {  	s20 =	simm.s32 $_scs_section_size  }
0x12: {  	s4 =	simm.s32 $_size__tile_overlayer_lowered;
	s5 =	simm.s32 $_tile_overlayer_lowered  }
0x13: {  	s23 =	simm.s32 $0x1BFF;
	s22 =	sshll.u32 s5, $0x1;
	s1 =	sadd.s32 s20, s19  }
0x14: {  	s6 =	simm.s32 $0x0;
	s21 =	sshll.u32 s4, $0x1;
	s4 =	sadd.s32 s22, s1  }
0x15: {  	[timem:s6], [sflag:s23] =	dma.local [hbm:s4], s21  }
0x16: {  	_ =	swait.ge [sflag:s23], s21  }
0x17: {  	s2 =	ssub.s32 $0x0, s21;
	[sflag:s23] =	ssyncset.done $0x0  }
0x18: {  	[sflag:s23] =	ssyncadd.s32 s2;
	_ =	sdelay $0x1  }
0x19: {  	s24 =	simm.s32 $0x1B8B  }
0x1a: {  	_ =	swait.ge [sflag:s24], $0x1  }
0x1b: {  	[sflag:s24] =	ssyncset.done $0x0  }
0x1c: {  	s26 =	simm.s32 $0x1B8E;
	s25 =	sld [smem:$0x3FFE];
	[sflag:s24] =	ssyncadd.s32 $0xFFFFFFFF  }
0x1d: {  	s27 =	simm.s32 $execute0_lowered;
	[smem:$0x3FD2] =	sst s26  }
0x1e: {  	s4 =	sshll.u32 s27, $0x1;
	_ =	strace $0x80000049;
	[dreg:$0x1] =	wrdreg $0xFFFFFFFF  }
0x1f: {  	s28 =	simm.s32 $_size_execute0_lowered;
	s1 =	sadd.s32 s1, s4;
	[dreg:$0x0] =	wrdreg $0x0  }
0x20: {  	s4 =	sshll.u32 s28, $0x1;
	[dreg:$0x2] =	wrdreg s1  }
0x21: {  	[dreg:$0x3] =	wrdreg s4  }
0x22: {  	[dreg:$0x4] =	wrdreg $0xC0  }
0x23: {  	_ =	task [dreg:s6], $0x5FFFF  }
0x24: {  	[dreg:$0x1] =	wrdreg $0xFFFFFFFF  }
0x25: {  	[dreg:$0x0] =	wrdreg $0x60  }
0x26: {  	[dreg:$0x2] =	wrdreg s25  }
0x27: {  	[dreg:$0x3] =	wrdreg $0x9  }
0x28: {  	_ =	task.clear_ibuf [dreg:s6], $0x4FFFF;
	_ =	strace $0x90000049  }
0x29: {  	s29 =	simm.s32 $0x9;
	_ =	strace $0x8000004B  }
0x2a: {  	_ =	swait.ge [sflag:s29], $0x1  }
0x2b: {  	[sflag:s29] =	ssyncadd.s32 $0xFFFFFFFF  }
0x2c: {  	_ =	strace $0x9000004B  }
0x2d: {  	_ =	sfence  }
0x2e: {  	s30 =	sld [smem:$0x0];
	_ =	sdelay $0x2  }
0x2f: {  	s31 =	sshll.u32 s3, $0xD;
	s3 =	sshrl.u32 s3, $0x2  }
0x30: {  	s2 =	sand.u32 $0x4000, s31;
	s1 =	sadd.s32 s3, s30  }
0x31: {  	s0 =	sor.u32 s2, s0;
	s1 =	sshll.u32 s1, $0x11  }
0x32: {  	s0 =	sor.u32 s1, s0  }
0x33: {  	s0 =	sadd.s32 $0x8F2B, s0  }
0x34: {  	[sflag:s0] =	ssyncadd.remote.s32 $0x1  }
0x35: {  	_ =	sfence.sel $0xFFFF  }
0x36: {  	[dreg:$0x0] =	wrdreg $0xFFFFFFFF;
	(pc) =	sbr.abs _section_cstart, $3  }
0x37: {  	[dreg:$0x1] =	wrdreg $0xFFFFFFFF  }
0x38: {  	_ =	task.clear_ibuf [dreg:s6], $0x2FFFF;
	_ =	strace $0x9FFFFFFF  }
0x39: {  	(tm) =	ssettm $0x7FFFFFFF  }
tec
execute0_lowered:
.L_overlay_start_1:
0x0: {  	(tag) =	ssettag $0x1  }
0x1: {  	s0 =	srdreg.scid  }
0x2: {  	s1 =	sshll.u32 s0, $0x4  }
0x3: {  	s0 =	stileid.u32;
	s1 =	sand.u32 $0x10, s1  }
0x4: {  	s1 =	sor.u32 s0, s1  }
0x5: {  	s6 =	rddreg [dreg:$0x0];
	s7 =	simm.s32 $0x2;
	s2 =	sshll.u32 s1, $0x7  }
0x6: {  	s13 =	simm.s32 $0x0;
	s8 =	simm.s32 $0x2400;
	s1 =	ssub.s32 $0x2000, s2  }
0x7: {  	s12 =	simm.s32 $0x0;
	s10 =	simm.s32 $0x0;
	s3 =	sand.u32 $0xF80, s1  }
0x8: {  	s11 =	simm.s32 $0x0;
	p0 =	sne.s32 s3, $0x0;
	s3 =	simm.s32 $0x1  }
.Ltmp0:
0x9: {  	s4 =	sshrl.u32 s1, $0xC;
	s3 =	simm.s32 @!p0 $0x0;
	(pc) =	sbr.rel .LBB1_1-.Ltmp0, $4  }
0xa: {  	s5 =	sadd.s32 $0x287200, s6;
	s1 =	rddreg [dreg:$0x1];
	s4 =	sadd.s32 s3, s4  }
0xb: {  	_ =	strace $0x8000004A;
	s3 =	simm.s32 $0x1;
	s4 =	smul.u32 $0x9, s4  }
0xc: {  	s6 =	sadd.s32 $0x395200, s6;
	s9 =	smov.u32 s2;
	[sflag:s3] =	ssyncpa.u1 $0x0  }
0xd: {  	p0 =	por $0x0, $0x0;
	[sflag:s7] =	ssyncpa.u1 $0x0;
	s7 =	sadd.s32 $0x1, s4  }
.LBB1_4:
0xe: {  	s19 =	sshrl.u32 s13, $0x3  }
0xf: {  	s20 =	sshll.u32 s12, $0x3;
	s19 =	smul.u32 $0x2400, s19  }
0x10: {  	s29 =	sshll.u32 s13, $0x7;
	s20 =	sand.u32 $0xFFFFFC00, s20  }
0x11: {  	v5 =	vld [tilespmem:s17+$0xFFFFFFD0];
	[tilespmem:s16+$0x2040 ss:$0x81] =	vst.msk $0xffff, v4;
	s13 =	sand.u32 $0x380, s29;
	s19 =	sadd.s32 s20, s19  }
0x12: {  	v58 =	vld [tilespmem:s17+$0xFFFFFFE0];
	[tilespmem:s16+$0x2850 ss:$0x81] =	vst.msk $0xffff, v3;
	s30 =	sand.u32 $0x7F, s12;
	s13 =	sor.u32 s13, s19  }
0x13: {  	s18 =	sshra.s32 s18, $0x2;
	v59 =	vld [tilespmem:s17+$0xFFFFFFF0];
	[tilespmem:s16+$0x3060 ss:$0x81] =	vst.msk $0xffff, v2;
	s12 =	sor.u32 s30, s13  }
0x14: {  	v60 =	vld [tilespmem:s17+$0x0];
	[tilespmem:s16+$0x0 ss:$0x81] =	vst.msk $0xffff, v0;
	s15 =	sadd.s32 s18, s15;
	s31 =	smulhi.u32 $0x38E38E39, s12  }
0x15: {  	v61 =	vld [tilespmem:s17+$0x10];
	[tilespmem:s15+$0x3870 ss:$0x81] =	vst.msk $0xffff, v1  }
0x16: {  	v62 =	vld [tilespmem:s17+$0x20];
	[tilespmem:s15+$0x810 ss:$0x81] =	vst.msk $0xffff, v5;
	s13 =	smulhi.u32 $0x38E38E39, s13;
	s16 =	sshrl.u32 s31, $0x8  }
0x17: {  	v63 =	vld [tilespmem:s17+$0xFFFFFFC0];
	[tilespmem:s15+$0x1020 ss:$0x81] =	vst.msk $0xffff, v58;
	s16 =	smul.u32 $0x480, s16  }
0x18: {  	[tilespmem:s15+$0x1830 ss:$0x81] =	vst.msk $0xffff, v59;
	s13 =	sshrl.u32 s13, $0x8  }
0x19: {  	[tilespmem:s15+$0x2040 ss:$0x81] =	vst.msk $0xffff, v60;
	s13 =	sand.u32 $0x1FFF, s13;
	s12 =	ssub.s32 s12, s16  }
0x1a: {  	[tilespmem:s15+$0x2850 ss:$0x81] =	vst.msk $0xffff, v61;
	s13 =	smul.u32 $0x90, s13;
	s16 =	sshrl.u32 s12, $0x3;
	s12 =	sand.u32 $0x7, s12  }
0x1b: {  	[tilespmem:s15+$0x3060 ss:$0x81] =	vst.msk $0xffff, v62;
	s16 =	sadd.s32 s6, s16;
	s12 =	sshll.u32 s12, $0x12  }
0x1c: {  	[tilespmem:s15+$0x0 ss:$0x81] =	vst.msk $0xffff, v63;
	s13 =	sadd.s32 s13, s16;
	s12 =	sor.u32 $0x400, s12  }
0x1d: {  	[hbm4b:s13+s12] =	stream.strided.scatter [tilespmem:s14], [sflag:$0x2], $0x4000, s8, s12, $0x20;
	[tilespmem:$0x10100] =	vst v63  }
.LBB1_5:
0x1e: {  	s14 =	sadd.s32 $0x1000, s9  }
0x1f: {  	s12 =	sadd.s32 $0x80, s10;
	s16 =	smov.u32 s10;
	p2 =	sgt.s32 s14, $0x1FFF  }
0x20: {  	s16 =	smov.u32 @p2 s12  }
0x21: {  	s14 =	smov.u32 @p2 s2;
	p2 =	sgt.s32 s16, $0x437  }
0x22: {  	s16 =	simm.s32 @p2 $0x0;
	p2 =	sne.s32 s11, s7  }
.Ltmp1:
0x23: {  	p1 =	slt.u32 s11, $0x2;
	(pc) =	sbr.rel @!p2 .LBB1_6-.Ltmp1, $4  }
0x24: {  	s15 =	simm.s32 @!p1 $0x2  }
0x25: {  	s13 =	smov.u32 s9;
	p0 =	por !p0, !p0;
	_ =	swait.ge @!p1 [sflag:s15], $0x4000  }
0x26: {  	s12 =	smov.u32 s10;
	[sflag:s15] =	ssyncset.done @!p1 $0x0;
	s9 =	smov.u32 s14  }
0x27: {  	s11 =	sadd.s32 $0x1, s11;
	[sflag:s15] =	ssyncadd.s32 @!p1 $0xFFFFC000;
	s10 =	smov.u32 s16  }
.LBB1_1:
0x28: {  	p1 =	sge.u32 s11, s4;
	s17 =	smov.u32 s10  }
0x29: {  	s14 =	sshll.u32 @!p1 s10, $0xD;
	s15 =	sand.u32 @!p1 $0x78, s9;
	p2 =	sgt.s32 @!p1 s10, $0x3B8  }
0x2a: {  	s16 =	sshll.u32 @!p1 s9, $0x3;
	s18 =	sshra.s32 @!p1 s10, $0x1F;
	s20 =	sshra.s32 @!p1 s9, $0x1F  }
0x2b: {  	s14 =	sand.u32 @!p1 $0xFFFF0000, s14;
	p2 =	por !p2, p1;
	s18 =	sand.u32 @!p1 s18, s10  }
0x2c: {  	s20 =	sand.u32 @!p1 s20, s9;
	s17 =	simm.s32 @p2 $0x3B8;
	p2 =	sgt.s32 @!p1 s9, $0x1F80  }
0x2d: {  	s14 =	sadd.s32 @!p1 s14, s16;
	s16 =	sand.u32 @!p1 $0x1C00, s16;
	s17 =	ssub.s32 @!p1 s17, s18  }
0x2e: {  	p2 =	por !p2, p1;
	s18 =	smov.u32 s9;
	s14 =	sshrl.u32 @!p1 s14, $0xD  }
0x2f: {  	s19 =	sadd.s32 @!p1 $0xFFFFFC48, s17;
	s18 =	simm.s32 @p2 $0x1F80;
	s17 =	ssub.s32 @!p1 $0x438, s17  }
0x30: {  	p2 =	sgt.s32 @!p1 s19, $0x7F;
	s19 =	sshll.u32 @!p1 s10, $0x7;
	s18 =	ssub.s32 @!p1 s18, s20  }
0x31: {  	s19 =	sand.u32 @!p1 $0x380, s19;
	p2 =	por !p2, p1;
	s20 =	sadd.s32 @!p1 $0xFFFFE080, s18  }
0x32: {  	s17 =	simm.s32 @!p2 $0x0;
	p2 =	sgt.s32 @!p1 s20, $0x7F;
	s20 =	smulhi.u32 @!p1 $0x3CAE76, s14  }
0x33: {  	s18 =	ssub.s32 @!p1 $0x2000, s18;
	s15 =	sor.u32 @!p1 s19, s15;
	p2 =	por !p2, p1  }
0x34: {  	s15 =	sor.u32 @!p1 s16, s15;
	s20 =	smul.u32 @!p1 $0x438, s20;
	s18 =	simm.s32 @!p2 $0x0  }
0x35: {  	s19 =	sxor.u32 @!p1 $0xFFFFFFFF, s11;
	s15 =	sshrl.u32 @!p1 s15, $0x3;
	s17 =	smul.u32 @!p1 s17, s18  }
0x36: {  	s31 =	sadd.s32 $0xFFFFFFFF, s11;
	s18 =	sshll.u32 @!p1 s19, $0xE;
	s15 =	sadd.s32 @!p1 s5, s15  }
0x37: {  	s14 =	ssub.s32 @!p1 s14, s20;
	s16 =	sand.u32 @!p1 $0x3FFFFFFF, s17;
	s17 =	sand.u32 @!p1 $0x7, s9  }
0x38: {  	s18 =	sand.u32 @!p1 $0x4000, s18;
	s14 =	sshll.u32 @!p1 s14, $0xA;
	s17 =	sshll.u32 @!p1 s17, $0x12  }
0x39: {  	s14 =	sadd.s32 @!p1 s14, s15;
	s15 =	sor.u32 @!p1 $0x400, s17;
	s17 =	simm.s32 @!p1 $0x10000  }
0x3a: {  	[tilespmem:s18], [sflag:$0x1] =	stream.strided.gather @!p1 [hbm4b:s14+s15], s16, s17, s15, $0x38;
	[tilespmem:$0x10100] =	vst v63  }
0x3b: {  	p1 =	sge.u32 s31, s4  }
.Ltmp2:
0x3c: {  	_ = 	snop;
	(pc) =	sbr.rel @p1 .LBB1_5-.Ltmp2, $1  }
0x3d: {  	_ =	sdelay $0x3  }
0x3e: {  	p1 =	sgt.s32 s12, $0x3B8  }
0x3f: {  	s14 =	smov.u32 s12;
	s15 =	sshra.s32 s12, $0x1F;
	s16 =	smov.u32 s13  }
0x40: {  	s17 =	sshra.s32 s13, $0x1F;
	s14 =	simm.s32 @!p1 $0x3B8;
	p1 =	sgt.s32 s13, $0x1F80  }
0x41: {  	s15 =	sand.u32 s15, s12;
	s26 =	sand.u32 s17, s13;
	s16 =	simm.s32 @!p1 $0x1F80  }
0x42: {  	s14 =	ssub.s32 s14, s15;
	s15 =	ssub.s32 s16, s26  }
0x43: {  	s27 =	sadd.s32 $0xFFFFFC48, s14;
	s14 =	ssub.s32 $0x438, s14;
	s16 =	sadd.s32 $0xFFFFE080, s15  }
0x44: {  	p1 =	sgt.s32 s27, $0x7F;
	s15 =	ssub.s32 $0x2000, s15;
	p2 =	sgt.s32 s16, $0x7F  }
0x45: {  	s14 =	simm.s32 @p1 $0x0;
	s15 =	simm.s32 @p2 $0x0  }
0x46: {  	s14 =	smul.u32 s14, s15;
	_ =	sdelay $0x1  }
0x47: {  	s15 =	simm.s32 $0x1;
	s14 =	sand.u32 $0x3FFFFFFF, s14  }
0x48: {  	s15 =	simm.s32 @!p0 $0x0;
	_ =	swait.ge [sflag:s3], s14  }
0x49: {  	s28 =	sshll.u32 s15, $0xE;
	s14 =	ssub.s32 $0x0, s14;
	[sflag:s3] =	ssyncset.done $0x0  }
0x4a: {  	s29 =	sor.u32 $0x40, s28;
	[sflag:s3] =	ssyncadd.s32 s14  }
0x4b: {  	s30 =	smul.u32 $0x10200, s15;
	v0 =	vld [tilespmem:s29+$0x30]  }
0x4c: {  	v1 =	vld [tilespmem:s29+$0xFFFFFFD0]  }
0x4d: {  	s14 =	sshrl.u32 s30, $0x2;
	v5 =	vld [tilespmem:s29+$0xFFFFFFE0]  }
0x4e: {  	s15 =	sor.u32 $0x8000, s14;
	v6 =	vld [tilespmem:s29+$0xFFFFFFF0]  }
0x4f: {  	s31 =	sand.u32 $0x1, s11;
	v4 =	vld [tilespmem:s29+$0x0];
	s16 =	sadd.s32 $0x0, s15  }
0x50: {  	s14 =	smul.u32 $0x10200, s31;
	v3 =	vld [tilespmem:s29+$0x10];
	[tilespmem:s16+$0x3870 ss:$0x81] =	vst.msk $0xffff, v0  }
0x51: {  	v2 =	vld [tilespmem:s29+$0x20];
	[tilespmem:s16+$0x810 ss:$0x81] =	vst.msk $0xffff, v1  }
0x52: {  	s17 =	sadd.s32 $0x80, s29;
	s14 =	sshrl.u32 s14, $0x2;
	v0 =	vld [tilespmem:s29+$0xFFFFFFC0];
	[tilespmem:s16+$0x1020 ss:$0x81] =	vst.msk $0xffff, v5  }
0x53: {  	s18 =	simm.s32 $0x4;
	s19 =	simm.s32 $0x8;
	s14 =	sor.u32 $0x8000, s14;
	v1 =	vld [tilespmem:s17+$0x30];
	[tilespmem:s16+$0x1830 ss:$0x81] =	vst.msk $0xffff, v6  }
.LBB1_3:
0x54: {  	p1 =	sne.s32 s19, $0x1FC;
	v5 =	vld [tilespmem:s17+$0xFFFFFFD0];
	[tilespmem:s16+$0x2040 ss:$0x81] =	vst.msk $0xffff, v4  }
0x55: {  	v6 =	vld [tilespmem:s17+$0xFFFFFFE0];
	[tilespmem:s16+$0x2850 ss:$0x81] =	vst.msk $0xffff, v3  }
0x56: {  	s20 =	sshra.s32 s18, $0x2;
	s18 =	smov.u32 s19;
	v7 =	vld [tilespmem:s17+$0xFFFFFFF0];
	[tilespmem:s16+$0x3060 ss:$0x81] =	vst.msk $0xffff, v2  }
.Ltmp3:
0x57: {  	v4 =	vld [tilespmem:s17+$0x0];
	[tilespmem:s16+$0x0 ss:$0x81] =	vst.msk $0xffff, v0;
	s16 =	sadd.s32 s20, s15;
	(pc) =	sbr.rel @p1 .LBB1_3-.Ltmp3, $4  }
0x58: {  	v3 =	vld [tilespmem:s17+$0x10];
	[tilespmem:s16+$0x3870 ss:$0x81] =	vst.msk $0xffff, v1  }
0x59: {  	[tilespmem:s16+$0x810 ss:$0x81] =	vst.msk $0xffff, v5;
	v2 =	vld [tilespmem:s17+$0x20]  }
0x5a: {  	v0 =	vld [tilespmem:s17+$0xFFFFFFC0];
	[tilespmem:s16+$0x1020 ss:$0x81] =	vst.msk $0xffff, v6;
	s17 =	sadd.s32 $0x80, s17  }
0x5b: {  	s19 =	sadd.s32 $0x4, s19;
	v1 =	vld [tilespmem:s17+$0x30];
	[tilespmem:s16+$0x1830 ss:$0x81] =	vst.msk $0xffff, v7  }
.Ltmp4:
0x5c: {  	_ = 	snop;
	(pc) =	sbr.rel .LBB1_4-.Ltmp4, $1  }
0x5d: {  	_ =	sdelay $0x3  }
.LBB1_6:
0x5e: {  	_ =	sfence.sel $0x180000  }
0x5f: {  	s2 =	simm.s32 $0x1;
	[bflag:$0x0] =	sbarrier.arrive $0xFFFF  }
0x60: {  	s31 =	simm.s32 $0x2;
	[sflag:s2] =	ssyncpa.u1 $0x1  }
0x61: {  	[sflag:s31] =	ssyncpa.u1 $0x1  }
0x62: {  	p0 =	sne.s32 s0, $0x0;
	_ =	strace $0x9000004A  }
0x63: {  	s0 =	sadd.s32 @!p0 $0x100000, s1;
	[bflag:$0x2] =	sbarrier.arrive $0xFFFF  }
0x64: {  	[sflag:s0] =	ssyncadd.tile.s32 @!p0 $0x1;
	_ =	shalt  }
.Lfunc_end1:
_tile_overlayer_lowered:
.L_overlay_start_2:
0x65: {  	(tag) =	ssettag $0x2  }
0x66: {  	s0 =	rddreg [dreg:$0x0];
	s2 =	stileid.u32  }
0x67: {  	s1 =	rddreg [dreg:$0x1];
	p0 =	sne.s32 s2, $0x0  }
0x68: {  	s3 =	rddreg [dreg:$0x2];
	[bflag:$0x3] =	sbarrier.arrive $0xFFFF;
	s2 =	simm.s32 @!p0 $0x1C01  }
0x69: {  	[timem:s3], [sflag:s2] =	dma.local @!p0 [hbm:s0], s1  }
0x6a: {  	s0 =	simm.s32 @!p0 $0x1  }
0x6b: {  	_ =	swait.ge @!p0 [sflag:s0], s1  }
0x6c: {  	s1 =	ssub.s32 @!p0 $0x0, s1;
	[sflag:s0] =	ssyncset.done @!p0 $0x0  }
0x6d: {  	[sflag:s0] =	ssyncadd.s32 @!p0 s1  }
0x6e: {  	[bflag:$0x3] =	sbarrier.arrive $0xFFFF  }
0x6f: {  	_ =	shalt  }

</sc_bundles>
